<compile_context>
chip_gen: v7x
topology: tpu7x:2x2x1
jax: 0.10.2.dev20260603
libtpu: 0.0.44.dev20260713+nightly
codegen_flags: <defaults>
</compile_context>

<pallas_src>
import jax
import jax.numpy as jnp
from jax import lax
from jax.experimental import pallas as pl
from jax.experimental.pallas import tpu as pltpu
from jax.experimental.pallas import tpu_sc as plsc

_B = 4096
_NEG = 10
_D = 64
_DW = _D // 2
_REG_SCALE = 0.0001
_NE = 1000000
_EROWS = 2 * _B + 4 * _B * _NEG
_RROWS = _B + 2 * _B * _NEG

_CB = 32768
_G = -(-_NE // _CB)
_EVROWS = _G * _CB
_RCB = 1024
_RVROWS = _RCB

_NW = 32
_EPW = _EROWS // _NW
_RPW = _RROWS // _NW
_CH = 128
_ECH = _EPW // _CH
_RCH = _RPW // _CH
_UNR_E = 6
_UNR_R = 3


def _repack_body(xt, out):
    x = xt[...]
    u = lax.bitcast_convert_type(x, jnp.int32)
    u = u + 0x8000
    hi = lax.shift_right_logical(u, 16)
    lo_half = hi[0:_DW, :]
    hi_half = hi[_DW:_D, :]
    xq = lax.bitcast_convert_type(lo_half | (hi_half << 16), jnp.float32)
    q = x.shape[1] // 4
    s128 = jnp.concatenate([xq[:, k * q:(k + 1) * q] for k in range(4)],
                           axis=0)
    out[...] = lax.transpose(s128, (1, 0))


def _make_repack(cb, grid):
    return pl.pallas_call(
        _repack_body,
        grid=(grid,),
        in_specs=[pl.BlockSpec((_D, cb), lambda i: (0, i))],
        out_specs=pl.BlockSpec((cb // 4, 4 * _DW), lambda i: (i, 0)),
        out_shape=jax.ShapeDtypeStruct((grid * (cb // 4), 4 * _DW),
                                       jnp.float32),
    )


def _perm(i, cb):
    w = i // cb
    j = i % cb
    return w * cb + 4 * (j % (cb // 4)) + j // (cb // 4)


def _gather_body(ent_hbm, rel_hbm, eidx_hbm, ridx_hbm, eout, rout,
                 eidx_v, ridx_v, b0, b1, b2, b3, b4, b5,
                 g0, g1, g2, g3, g4, g5, w0, w1, w2, w3, w4, w5):
    bufs = (b0, b1, b2, b3, b4, b5)
    gsems = (g0, g1, g2, g3, g4, g5)
    wsems = (w0, w1, w2, w3, w4, w5)
    wid = lax.axis_index("s") * 2 + lax.axis_index("c")
    pltpu.sync_copy(eidx_hbm.at[wid], eidx_v)
    pltpu.sync_copy(ridx_hbm.at[wid], ridx_v)

    def phase(table, idx_v, out, base_row, nbody, unr):
        def body(j, carry):
            gh = []
            for b in range(unr):
                c = j * unr + b
                gh.append(pltpu.async_copy(table.at[idx_v.at[c]],
                                           bufs[b], gsems[b]))
            wh = []
            for b in range(unr):
                c = j * unr + b
                gh[b].wait()
                wh.append(pltpu.async_copy(
                    bufs[b], out.at[pl.ds(base_row + c * _CH, _CH)],
                    wsems[b]))
            for b in range(unr):
                wh[b].wait()
            return carry
        lax.fori_loop(0, nbody, body, 0)

    phase(ent_hbm, eidx_v, eout, wid * _EPW, _ECH // _UNR_E, _UNR_E)
    phase(rel_hbm, ridx_v, rout, wid * _RPW, _RCH // _UNR_R, _UNR_R)


_sc_gather_cache = []


def _get_sc_gather():
    if not _sc_gather_cache:
        _sc_gather_cache.append(pl.kernel(
            _gather_body,
            out_type=(jax.ShapeDtypeStruct((_EROWS, _DW), jnp.float32),
                      jax.ShapeDtypeStruct((_RROWS, _DW), jnp.float32)),
            mesh=plsc.VectorSubcoreMesh(core_axis_name="c",
                                        subcore_axis_name="s"),
            compiler_params=pltpu.CompilerParams(use_tc_tiling_on_sc=False),
            scratch_types=(
                [pltpu.VMEM((_ECH, _CH), jnp.int32),
                 pltpu.VMEM((_RCH, _CH), jnp.int32)]
                + [pltpu.VMEM((_CH, _DW), jnp.float32) for _ in range(6)]
                + [pltpu.SemaphoreType.DMA for _ in range(12)]
            ),
        ))
    return _sc_gather_cache[0]


_C = 1024
_GRID = (_B * _NEG) // (4 * _C)


def _unpack(v):
    u = lax.bitcast_convert_type(v, jnp.int32)
    xe = lax.bitcast_convert_type(lax.shift_left(u, 16), jnp.float32)
    xo = lax.bitcast_convert_type(u & jnp.int32(-65536), jnp.float32)
    return xe, xo


def _dense_body(mh, mt, mrr, wq, a, bb, cc, dd, rh, rt,
                m1ep, m1op, m2ep, m2op, ones4, linr, out):
    i = pl.program_id(0)
    m1e = m1ep[...]
    m1o = m1op[...]
    m2e = m2ep[...]
    m2o = m2op[...]
    o4 = ones4[...]
    lw = linr[0, 0]
    lb = linr[0, 1]
    nt = (((1,), (1,)), ((), ()))

    def psq(x4, y4, rel4):
        xe, xo = _unpack(x4)
        ye, yo = _unpack(y4)
        re_, ro = _unpack(rel4)
        bf = jnp.bfloat16
        ht = jnp.tanh(
            jnp.dot(xe.astype(bf), m1e, preferred_element_type=jnp.float32)
            + jnp.dot(xo.astype(bf), m1o, preferred_element_type=jnp.float32)
            + jnp.dot(ye.astype(bf), m2e, preferred_element_type=jnp.float32)
            + jnp.dot(yo.astype(bf), m2o, preferred_element_type=jnp.float32))
        s = jnp.concatenate([re_, ro], axis=1) * ht
        q = lax.dot_general(o4, s, nt,
                            preferred_element_type=jnp.float32)
        return jax.nn.sigmoid(q * lw + lb)

    p_hn = psq(a[...], bb[...], rh[...])
    p_tn = psq(cc[...], dd[...], rt[...])
    neg = (jnp.sum(p_hn * p_hn) + jnp.sum(p_tn * p_tn)) * (
        1.0 / (2.0 * _NEG * _B))

    @pl.when(i == 0)
    def _():
        p = psq(mh[...], mt[...], mrr[...])
        dlt = p - wq[...]
        f_h = jnp.sum(dlt * dlt) * (1.0 / _B)
        he, ho = _unpack(mh[...])
        te, to = _unpack(mt[...])
        rle, rlo = _unpack(mrr[...])
        reg = (jnp.sum(he * he) + jnp.sum(ho * ho)
               + jnp.sum(te * te) + jnp.sum(to * to)
               + jnp.sum(rle * rle) + jnp.sum(rlo * rlo)) * (
            _REG_SCALE * 0.5 / _B)
        out[0, 0] = f_h + reg

    out[0, 0] += neg


def _make_dense(interpret=False):
    return pl.pallas_call(
        _dense_body,
        grid=(_GRID,),
        in_specs=[
            pl.BlockSpec((_C, 2 * _D), lambda i: (0, 0)),
            pl.BlockSpec((_C, 2 * _D), lambda i: (1, 0)),
            pl.BlockSpec((_C, 2 * _D), lambda i: (0, 0)),
            pl.BlockSpec((4, _C), lambda i: (0, 0)),
            pl.BlockSpec((_C, 2 * _D), lambda i: (2 + i, 0)),
            pl.BlockSpec((_C, 2 * _D), lambda i: (12 + i, 0)),
            pl.BlockSpec((_C, 2 * _D), lambda i: (22 + i, 0)),
            pl.BlockSpec((_C, 2 * _D), lambda i: (32 + i, 0)),
            pl.BlockSpec((_C, 2 * _D), lambda i: (1 + i, 0)),
            pl.BlockSpec((_C, 2 * _D), lambda i: (11 + i, 0)),
            pl.BlockSpec((2 * _D, 4 * _D), lambda i: (0, 0)),
            pl.BlockSpec((2 * _D, 4 * _D), lambda i: (0, 0)),
            pl.BlockSpec((2 * _D, 4 * _D), lambda i: (0, 0)),
            pl.BlockSpec((2 * _D, 4 * _D), lambda i: (0, 0)),
            pl.BlockSpec((4, 4 * _D), lambda i: (0, 0)),
            pl.BlockSpec((1, 2), lambda i: (0, 0)),
        ],
        out_specs=pl.BlockSpec((1, 1), lambda i: (0, 0),
                               memory_space=pltpu.SMEM),
        out_shape=jax.ShapeDtypeStruct((1, 1), jnp.float32),
        interpret=interpret,
    )


_dense = _make_dense()


def _dense_loss(e4, r4, w, mr1, mr2, lin_w, lin_b, dense_fn=None):
    if dense_fn is None:
        dense_fn = _dense
    lin = jnp.concatenate([lin_w.reshape(1, 1), lin_b.reshape(1, 1)], axis=1)
    zb = jnp.zeros((_DW, _DW), jnp.float32)

    def bd4(blk):
        return jnp.block([[blk if i == j else zb for j in range(4)]
                          for i in range(4)])

    def planes(m):
        return (jnp.concatenate([bd4(m[:_DW, :_DW]), bd4(m[:_DW, _DW:])],
                                axis=1),
                jnp.concatenate([bd4(m[_DW:, :_DW]), bd4(m[_DW:, _DW:])],
                                axis=1))

    m1ep, m1op = (m.astype(jnp.bfloat16) for m in planes(mr1))
    m2ep, m2op = (m.astype(jnp.bfloat16) for m in planes(mr2))
    eye4 = jnp.eye(4, dtype=jnp.float32)
    half = jnp.repeat(eye4, _DW, axis=1)
    ones4 = jnp.concatenate([half, half], axis=1)
    wq = w.reshape(_B // 4, 4).T
    out = dense_fn(e4, e4, r4, wq, e4, e4, e4, e4, r4, r4,
                   m1ep, m1op, m2ep, m2op, ones4, lin)
    return out[0, 0]


def kernel(h, r, t, w, n_hn, n_rel_hn, n_t, n_h, n_rel_tn, n_tn,
           s_h, s_r, s_t, s_w, ent_emb, rel_emb, mr1, mr2, lin_w, lin_b):
    rpacked = _make_repack(_RCB, 1)(rel_emb.T)
    rtab = rpacked.reshape(_RVROWS, _DW)
    epacked = _make_repack(_CB, _G)(ent_emb.T)
    etab = epacked.reshape(_EVROWS, _DW)
    ei = _perm(jnp.concatenate([
        h, t, n_hn.reshape(-1), n_t.reshape(-1),
        n_h.reshape(-1), n_tn.reshape(-1)]).astype(jnp.int32), _CB)
    ri = _perm(jnp.concatenate([
        r, n_rel_hn.reshape(-1), n_rel_tn.reshape(-1)]).astype(jnp.int32),
        _RCB)
    erows, rrows = _get_sc_gather()(etab, rtab,
                                    ei.reshape(_NW, _ECH, _CH),
                                    ri.reshape(_NW, _RCH, _CH))
    e4 = erows.reshape(_EROWS // 4, 4 * _DW)
    r4 = rrows.reshape(_RROWS // 4, 4 * _DW)
    return _dense_loss(e4, r4, w, mr1, mr2, lin_w, lin_b)

# --- scband reference (transcript-rebuilt; emitter-appended) ---
"""Pipeline reference for scband-u-slm-16338055594521 (READ-ONLY COPY).

The authoritative reference and input builder live on the scoring server;
editing this copy changes nothing except your own understanding.
"""

import jax, jax.numpy as jnp
import numpy as np

NUM_CONS = 1000000
NUM_RELS = 1000
DIM = 64
B = 4096
NEG = 10
S = 512
REG_SCALE = 0.0001
P_NEG = 1.0


def setup_inputs(seed: int = 0) -> dict:
    key = jax.random.key(seed)
    ks = [jax.random.fold_in(key, i) for i in range(20)]
    inp = {}
    inp['h'] = jax.random.randint(ks[0], (B,), 0, NUM_CONS, dtype=jnp.int64 if jax.config.jax_enable_x64 else jnp.int32)
    inp['r'] = jax.random.randint(ks[1], (B,), 0, NUM_RELS)
    inp['t'] = jax.random.randint(ks[2], (B,), 0, NUM_CONS)
    inp['w'] = jax.random.uniform(ks[3], (B,), dtype=jnp.float32)
    inp['n_hn'] = jax.random.randint(ks[4], (B, NEG), 0, NUM_CONS)
    inp['n_rel_hn'] = jax.random.randint(ks[5], (B, NEG), 0, NUM_RELS)
    inp['n_t'] = jax.random.randint(ks[6], (B, NEG), 0, NUM_CONS)
    inp['n_h'] = jax.random.randint(ks[7], (B, NEG), 0, NUM_CONS)
    inp['n_rel_tn'] = jax.random.randint(ks[8], (B, NEG), 0, NUM_RELS)
    inp['n_tn'] = jax.random.randint(ks[9], (B, NEG), 0, NUM_CONS)
    inp['s_h'] = jax.random.randint(ks[10], (S,), 0, NUM_CONS)
    inp['s_r'] = jax.random.randint(ks[11], (S,), 0, NUM_RELS)
    inp['s_t'] = jax.random.randint(ks[12], (S,), 0, NUM_CONS)
    inp['s_w'] = jax.random.uniform(ks[13], (S,), dtype=jnp.float32)
    # learned parameters (xavier_uniform-style scale for embeddings / matrices)
    lim_e = np.sqrt(6.0 / (NUM_CONS + DIM))
    lim_r = np.sqrt(6.0 / (NUM_RELS + DIM))
    lim_m = np.sqrt(6.0 / (DIM + DIM))
    inp['ent_emb'] = jax.random.uniform(ks[14], (NUM_CONS, DIM), jnp.float32, -lim_e, lim_e)
    inp['rel_emb'] = jax.random.uniform(ks[15], (NUM_RELS, DIM), jnp.float32, -lim_r, lim_r)
    inp['mr1'] = jax.random.uniform(ks[16], (DIM, DIM), jnp.float32, -lim_m, lim_m)
    inp['mr2'] = jax.random.uniform(ks[17], (DIM, DIM), jnp.float32, -lim_m, lim_m)
    inp['lin_w'] = jax.random.normal(ks[18], (1, 1), jnp.float32) * 0.3
    inp['lin_b'] = jax.random.normal(ks[19], (1,), jnp.float32) * 0.3
    return inp


def reference(h, r, t, w, n_hn, n_rel_hn, n_t, n_h, n_rel_tn, n_tn,
              s_h, s_r, s_t, s_w, ent_emb, rel_emb, mr1, mr2, lin_w, lin_b):
    def layer(he, te):
        return jnp.tanh(he @ mr1 + te @ mr2)

    def liner(x):
        return x * lin_w[0, 0] + lin_b[0]

    # embed lookups (SparseCore gathers)
    h_e = jnp.take(ent_emb, h, axis=0)
    r_e = jnp.take(rel_emb, r, axis=0)
    t_e = jnp.take(ent_emb, t, axis=0)
    n_hn_e = jnp.take(ent_emb, n_hn, axis=0)
    n_rel_hn_e = jnp.take(rel_emb, n_rel_hn, axis=0)
    n_t_e = jnp.take(ent_emb, n_t, axis=0)
    n_h_e = jnp.take(ent_emb, n_h, axis=0)
    n_rel_tn_e = jnp.take(rel_emb, n_rel_tn, axis=0)
    n_tn_e = jnp.take(ent_emb, n_tn, axis=0)

    ht = layer(h_e, t_e)
    htr = jnp.sum(r_e * ht, axis=1)[:, None]
    f_prob_h = jax.nn.sigmoid(liner(htr))  # function == 'logi'
    f_prob_hn = jax.nn.sigmoid(liner(jnp.sum(n_rel_hn_e * layer(n_hn_e, n_t_e), axis=2)[..., None]))
    f_prob_tn = jax.nn.sigmoid(liner(jnp.sum(n_rel_tn_e * layer(n_h_e, n_tn_e), axis=2)[..., None]))

    f_prob_h = jnp.squeeze(f_prob_h, axis=-1)
    f_score_h = jnp.square(f_prob_h - w)
    f_score_hn = jnp.mean(jnp.square(jnp.squeeze(f_prob_hn, axis=-1)), axis=1)
    f_score_tn = jnp.mean(jnp.square(jnp.squeeze(f_prob_tn, axis=-1)), axis=1)

    this_loss = jnp.sum((f_score_tn + f_score_hn) / 2.0 * P_NEG + f_score_h) / B
    regularizer = (jnp.sum(jnp.square(h_e)) / 2.0 / B
                   + jnp.sum(jnp.square(r_e)) / 2.0 / B
                   + jnp.sum(jnp.square(t_e)) / 2.0 / B)
    main_loss = this_loss + REG_SCALE * regularizer
    return main_loss

if __name__ == "__main__":
    import jax
    _d = setup_inputs()
    print(jax.jit(kernel)(*tuple(_d.values())))

</pallas_src>

<mosaic_0001>
#map = affine_map<(d0, d1) -> (0, 0)>
#map1 = affine_map<(d0, d1) -> (0, 0, 0)>
module attributes {stable_mosaic.version = 14 : i64} {
  func.func @_gather_body(%arg0: i32, %arg1: i32, %arg2: memref<1015808x32xf32, #tpu.memory_space<hbm>>, %arg3: memref<1024x32xf32, #tpu.memory_space<hbm>>, %arg4: memref<32x42x128xi32, #tpu.memory_space<hbm>>, %arg5: memref<32x21x128xi32, #tpu.memory_space<hbm>>, %arg6: memref<172032x32xf32, #tpu.memory_space<hbm>>, %arg7: memref<86016x32xf32, #tpu.memory_space<hbm>>, %arg8: memref<42x128xi32, #tpu.memory_space<vmem>>, %arg9: memref<21x128xi32, #tpu.memory_space<vmem>>, %arg10: memref<128x32xf32, #tpu.memory_space<vmem>>, %arg11: memref<128x32xf32, #tpu.memory_space<vmem>>, %arg12: memref<128x32xf32, #tpu.memory_space<vmem>>, %arg13: memref<128x32xf32, #tpu.memory_space<vmem>>, %arg14: memref<128x32xf32, #tpu.memory_space<vmem>>, %arg15: memref<128x32xf32, #tpu.memory_space<vmem>>, %arg16: memref<!tpu.dma_semaphore, #tpu.memory_space<semaphore_mem>>, %arg17: memref<!tpu.dma_semaphore, #tpu.memory_space<semaphore_mem>>, %arg18: memref<!tpu.dma_semaphore, #tpu.memory_space<semaphore_mem>>, %arg19: memref<!tpu.dma_semaphore, #tpu.memory_space<semaphore_mem>>, %arg20: memref<!tpu.dma_semaphore, #tpu.memory_space<semaphore_mem>>, %arg21: memref<!tpu.dma_semaphore, #tpu.memory_space<semaphore_mem>>, %arg22: memref<!tpu.dma_semaphore, #tpu.memory_space<semaphore_mem>>, %arg23: memref<!tpu.dma_semaphore, #tpu.memory_space<semaphore_mem>>, %arg24: memref<!tpu.dma_semaphore, #tpu.memory_space<semaphore_mem>>, %arg25: memref<!tpu.dma_semaphore, #tpu.memory_space<semaphore_mem>>, %arg26: memref<!tpu.dma_semaphore, #tpu.memory_space<semaphore_mem>>, %arg27: memref<!tpu.dma_semaphore, #tpu.memory_space<semaphore_mem>>) attributes {dimension_semantics = [#tpu.dimension_semantics<core_parallel>, #tpu.dimension_semantics<subcore_parallel>], iteration_bounds = array<i64: 2, 16>, scalar_prefetch = 0 : i64, scratch_operands = 20 : i64, tpu.core_type = #tpu.core_type<sc_vector_subcore>, window_params = [{transform_indices = #map}, {transform_indices = #map}, {transform_indices = #map1}, {transform_indices = #map1}, {transform_indices = #map}, {transform_indices = #map}]} {
    %mul3A = arith.constant 2 : i32
    %mul3A_0 = arith.muli %arg1, %mul3A : i32
    %add3A = arith.addi %mul3A_0, %arg0 : i32
    "tpu.region"() ({
      %run_scoped3A = tpu.sem_alloc : memref<!tpu.dma_semaphore, #tpu.memory_space<semaphore_mem>>
      %dma_start3A = arith.constant 0 : i32
      %dma_start3A_16 = arith.constant 0 : i32
      %dma_start3A_17 = tpu.memref_slice %arg4[%add3A, %dma_start3A, %dma_start3A_16] : memref<32x42x128xi32, #tpu.memory_space<hbm>> -> memref<1x42x128xi32, #tpu.memory_space<hbm>>
      %dma_start3A_18 = tpu.memref_squeeze %dma_start3A_17 : memref<1x42x128xi32, #tpu.memory_space<hbm>> -> memref<42x128xi32, #tpu.memory_space<hbm>>
      %dma_start3A_19 = arith.constant 0 : i32
      %dma_start3A_20 = arith.constant 0 : i32
      %dma_start3A_21 = tpu.memref_slice %arg4[%add3A, %dma_start3A_19, %dma_start3A_20] : memref<32x42x128xi32, #tpu.memory_space<hbm>> -> memref<1x42x128xi32, #tpu.memory_space<hbm>>
      %dma_start3A_22 = tpu.memref_squeeze %dma_start3A_21 : memref<1x42x128xi32, #tpu.memory_space<hbm>> -> memref<42x128xi32, #tpu.memory_space<hbm>>
      tpu.enqueue_dma source(%dma_start3A_22 : memref<42x128xi32, #tpu.memory_space<hbm>>) target(%arg8 : memref<42x128xi32, #tpu.memory_space<vmem>>) target_semaphore(%run_scoped3A : memref<!tpu.dma_semaphore, #tpu.memory_space<semaphore_mem>>)
      %dma_wait3A = arith.constant 0 : i32
      %dma_wait3A_23 = arith.constant 0 : i32
      %dma_wait3A_24 = tpu.memref_slice %arg4[%add3A, %dma_wait3A, %dma_wait3A_23] : memref<32x42x128xi32, #tpu.memory_space<hbm>> -> memref<1x42x128xi32, #tpu.memory_space<hbm>>
      %dma_wait3A_25 = tpu.memref_squeeze %dma_wait3A_24 : memref<1x42x128xi32, #tpu.memory_space<hbm>> -> memref<42x128xi32, #tpu.memory_space<hbm>>
      %dma_wait3A_26 = arith.constant 0 : i32
      %dma_wait3A_27 = arith.constant 0 : i32
      %dma_wait3A_28 = tpu.memref_slice %arg4[%add3A, %dma_wait3A_26, %dma_wait3A_27] : memref<32x42x128xi32, #tpu.memory_space<hbm>> -> memref<1x42x128xi32, #tpu.memory_space<hbm>>
      %dma_wait3A_29 = tpu.memref_squeeze %dma_wait3A_28 : memref<1x42x128xi32, #tpu.memory_space<hbm>> -> memref<42x128xi32, #tpu.memory_space<hbm>>
      tpu.wait_dma2 semaphore(%run_scoped3A : memref<!tpu.dma_semaphore, #tpu.memory_space<semaphore_mem>>) src(%dma_wait3A_29 : memref<42x128xi32, #tpu.memory_space<hbm>>) dst(%arg8 : memref<42x128xi32, #tpu.memory_space<vmem>>)
      tpu.yield
    }) : () -> ()
    "tpu.region"() ({
      %run_scoped3A = tpu.sem_alloc : memref<!tpu.dma_semaphore, #tpu.memory_space<semaphore_mem>>
      %dma_start3A = arith.constant 0 : i32
      %dma_start3A_16 = arith.constant 0 : i32
      %dma_start3A_17 = tpu.memref_slice %arg5[%add3A, %dma_start3A, %dma_start3A_16] : memref<32x21x128xi32, #tpu.memory_space<hbm>> -> memref<1x21x128xi32, #tpu.memory_space<hbm>>
      %dma_start3A_18 = tpu.memref_squeeze %dma_start3A_17 : memref<1x21x128xi32, #tpu.memory_space<hbm>> -> memref<21x128xi32, #tpu.memory_space<hbm>>
      %dma_start3A_19 = arith.constant 0 : i32
      %dma_start3A_20 = arith.constant 0 : i32
      %dma_start3A_21 = tpu.memref_slice %arg5[%add3A, %dma_start3A_19, %dma_start3A_20] : memref<32x21x128xi32, #tpu.memory_space<hbm>> -> memref<1x21x128xi32, #tpu.memory_space<hbm>>
      %dma_start3A_22 = tpu.memref_squeeze %dma_start3A_21 : memref<1x21x128xi32, #tpu.memory_space<hbm>> -> memref<21x128xi32, #tpu.memory_space<hbm>>
      tpu.enqueue_dma source(%dma_start3A_22 : memref<21x128xi32, #tpu.memory_space<hbm>>) target(%arg9 : memref<21x128xi32, #tpu.memory_space<vmem>>) target_semaphore(%run_scoped3A : memref<!tpu.dma_semaphore, #tpu.memory_space<semaphore_mem>>)
      %dma_wait3A = arith.constant 0 : i32
      %dma_wait3A_23 = arith.constant 0 : i32
      %dma_wait3A_24 = tpu.memref_slice %arg5[%add3A, %dma_wait3A, %dma_wait3A_23] : memref<32x21x128xi32, #tpu.memory_space<hbm>> -> memref<1x21x128xi32, #tpu.memory_space<hbm>>
      %dma_wait3A_25 = tpu.memref_squeeze %dma_wait3A_24 : memref<1x21x128xi32, #tpu.memory_space<hbm>> -> memref<21x128xi32, #tpu.memory_space<hbm>>
      %dma_wait3A_26 = arith.constant 0 : i32
      %dma_wait3A_27 = arith.constant 0 : i32
      %dma_wait3A_28 = tpu.memref_slice %arg5[%add3A, %dma_wait3A_26, %dma_wait3A_27] : memref<32x21x128xi32, #tpu.memory_space<hbm>> -> memref<1x21x128xi32, #tpu.memory_space<hbm>>
      %dma_wait3A_29 = tpu.memref_squeeze %dma_wait3A_28 : memref<1x21x128xi32, #tpu.memory_space<hbm>> -> memref<21x128xi32, #tpu.memory_space<hbm>>
      tpu.wait_dma2 semaphore(%run_scoped3A : memref<!tpu.dma_semaphore, #tpu.memory_space<semaphore_mem>>) src(%dma_wait3A_29 : memref<21x128xi32, #tpu.memory_space<hbm>>) dst(%arg9 : memref<21x128xi32, #tpu.memory_space<vmem>>)
      tpu.yield
    }) : () -> ()
    %mul3A_1 = arith.constant 5376 : i32
    %mul3A_2 = arith.muli %add3A, %mul3A_1 : i32
    %scan3A = arith.constant 0 : i32
    %scan3A_3 = arith.constant 0 : i32
    %scan3A_4 = arith.constant 7 : i32
    %scan3A_5 = arith.addi %scan3A_3, %scan3A_4 : i32
    %scan3A_6 = arith.constant 1 : i32
    scf.for %scan3A_16 = %scan3A_3 to %scan3A_5 step %scan3A_6  : i32 {
      %mul3A_17 = arith.constant 6 : i32
      %mul3A_18 = arith.muli %scan3A_16, %mul3A_17 : i32
      %add3A_19 = arith.constant 0 : i32
      %add3A_20 = arith.addi %mul3A_18, %add3A_19 : i32
      %dma_start3A = arith.constant 0 : i32
      %dma_start3A_21 = tpu.memref_slice %arg8[%add3A_20, %dma_start3A] : memref<42x128xi32, #tpu.memory_space<vmem>> -> memref<1x128xi32, #tpu.memory_space<vmem>>
      %dma_start3A_22 = tpu.memref_squeeze %dma_start3A_21 : memref<1x128xi32, #tpu.memory_space<vmem>> -> memref<128xi32, #tpu.memory_space<vmem>>
      %dma_start3A_23 = arith.constant 0 : i32
      %dma_start3A_24 = arith.constant 0 : i32
      %dma_start3A_25 = tpu.memref_slice %arg2[%dma_start3A_23, %dma_start3A_24] : memref<1015808x32xf32, #tpu.memory_space<hbm>> -> memref<1015808x32xf32, #tpu.memory_space<hbm>>
      tpu.enqueue_indirect_dma source(%dma_start3A_25 : memref<1015808x32xf32, #tpu.memory_space<hbm>>) target(%arg10 : memref<128x32xf32, #tpu.memory_space<vmem>>) offsets(%dma_start3A_22 : memref<128xi32, #tpu.memory_space<vmem>>) semaphore(%arg16 : memref<!tpu.dma_semaphore, #tpu.memory_space<semaphore_mem>>)
      %mul3A_26 = arith.constant 6 : i32
      %mul3A_27 = arith.muli %scan3A_16, %mul3A_26 : i32
      %add3A_28 = arith.constant 1 : i32
      %add3A_29 = arith.addi %mul3A_27, %add3A_28 : i32
      %dma_start3A_30 = arith.constant 0 : i32
      %dma_start3A_31 = tpu.memref_slice %arg8[%add3A_29, %dma_start3A_30] : memref<42x128xi32, #tpu.memory_space<vmem>> -> memref<1x128xi32, #tpu.memory_space<vmem>>
      %dma_start3A_32 = tpu.memref_squeeze %dma_start3A_31 : memref<1x128xi32, #tpu.memory_space<vmem>> -> memref<128xi32, #tpu.memory_space<vmem>>
      %dma_start3A_33 = arith.constant 0 : i32
      %dma_start3A_34 = arith.constant 0 : i32
      %dma_start3A_35 = tpu.memref_slice %arg2[%dma_start3A_33, %dma_start3A_34] : memref<1015808x32xf32, #tpu.memory_space<hbm>> -> memref<1015808x32xf32, #tpu.memory_space<hbm>>
      tpu.enqueue_indirect_dma source(%dma_start3A_35 : memref<1015808x32xf32, #tpu.memory_space<hbm>>) target(%arg11 : memref<128x32xf32, #tpu.memory_space<vmem>>) offsets(%dma_start3A_32 : memref<128xi32, #tpu.memory_space<vmem>>) semaphore(%arg17 : memref<!tpu.dma_semaphore, #tpu.memory_space<semaphore_mem>>)
      %mul3A_36 = arith.constant 6 : i32
      %mul3A_37 = arith.muli %scan3A_16, %mul3A_36 : i32
      %add3A_38 = arith.constant 2 : i32
      %add3A_39 = arith.addi %mul3A_37, %add3A_38 : i32
      %dma_start3A_40 = arith.constant 0 : i32
      %dma_start3A_41 = tpu.memref_slice %arg8[%add3A_39, %dma_start3A_40] : memref<42x128xi32, #tpu.memory_space<vmem>> -> memref<1x128xi32, #tpu.memory_space<vmem>>
      %dma_start3A_42 = tpu.memref_squeeze %dma_start3A_41 : memref<1x128xi32, #tpu.memory_space<vmem>> -> memref<128xi32, #tpu.memory_space<vmem>>
      %dma_start3A_43 = arith.constant 0 : i32
      %dma_start3A_44 = arith.constant 0 : i32
      %dma_start3A_45 = tpu.memref_slice %arg2[%dma_start3A_43, %dma_start3A_44] : memref<1015808x32xf32, #tpu.memory_space<hbm>> -> memref<1015808x32xf32, #tpu.memory_space<hbm>>
      tpu.enqueue_indirect_dma source(%dma_start3A_45 : memref<1015808x32xf32, #tpu.memory_space<hbm>>) target(%arg12 : memref<128x32xf32, #tpu.memory_space<vmem>>) offsets(%dma_start3A_42 : memref<128xi32, #tpu.memory_space<vmem>>) semaphore(%arg18 : memref<!tpu.dma_semaphore, #tpu.memory_space<semaphore_mem>>)
      %mul3A_46 = arith.constant 6 : i32
      %mul3A_47 = arith.muli %scan3A_16, %mul3A_46 : i32
      %add3A_48 = arith.constant 3 : i32
      %add3A_49 = arith.addi %mul3A_47, %add3A_48 : i32
      %dma_start3A_50 = arith.constant 0 : i32
      %dma_start3A_51 = tpu.memref_slice %arg8[%add3A_49, %dma_start3A_50] : memref<42x128xi32, #tpu.memory_space<vmem>> -> memref<1x128xi32, #tpu.memory_space<vmem>>
      %dma_start3A_52 = tpu.memref_squeeze %dma_start3A_51 : memref<1x128xi32, #tpu.memory_space<vmem>> -> memref<128xi32, #tpu.memory_space<vmem>>
      %dma_start3A_53 = arith.constant 0 : i32
      %dma_start3A_54 = arith.constant 0 : i32
      %dma_start3A_55 = tpu.memref_slice %arg2[%dma_start3A_53, %dma_start3A_54] : memref<1015808x32xf32, #tpu.memory_space<hbm>> -> memref<1015808x32xf32, #tpu.memory_space<hbm>>
      tpu.enqueue_indirect_dma source(%dma_start3A_55 : memref<1015808x32xf32, #tpu.memory_space<hbm>>) target(%arg13 : memref<128x32xf32, #tpu.memory_space<vmem>>) offsets(%dma_start3A_52 : memref<128xi32, #tpu.memory_space<vmem>>) semaphore(%arg19 : memref<!tpu.dma_semaphore, #tpu.memory_space<semaphore_mem>>)
      %mul3A_56 = arith.constant 6 : i32
      %mul3A_57 = arith.muli %scan3A_16, %mul3A_56 : i32
      %add3A_58 = arith.constant 4 : i32
      %add3A_59 = arith.addi %mul3A_57, %add3A_58 : i32
      %dma_start3A_60 = arith.constant 0 : i32
      %dma_start3A_61 = tpu.memref_slice %arg8[%add3A_59, %dma_start3A_60] : memref<42x128xi32, #tpu.memory_space<vmem>> -> memref<1x128xi32, #tpu.memory_space<vmem>>
      %dma_start3A_62 = tpu.memref_squeeze %dma_start3A_61 : memref<1x128xi32, #tpu.memory_space<vmem>> -> memref<128xi32, #tpu.memory_space<vmem>>
      %dma_start3A_63 = arith.constant 0 : i32
      %dma_start3A_64 = arith.constant 0 : i32
      %dma_start3A_65 = tpu.memref_slice %arg2[%dma_start3A_63, %dma_start3A_64] : memref<1015808x32xf32, #tpu.memory_space<hbm>> -> memref<1015808x32xf32, #tpu.memory_space<hbm>>
      tpu.enqueue_indirect_dma source(%dma_start3A_65 : memref<1015808x32xf32, #tpu.memory_space<hbm>>) target(%arg14 : memref<128x32xf32, #tpu.memory_space<vmem>>) offsets(%dma_start3A_62 : memref<128xi32, #tpu.memory_space<vmem>>) semaphore(%arg20 : memref<!tpu.dma_semaphore, #tpu.memory_space<semaphore_mem>>)
      %mul3A_66 = arith.constant 6 : i32
      %mul3A_67 = arith.muli %scan3A_16, %mul3A_66 : i32
      %add3A_68 = arith.constant 5 : i32
      %add3A_69 = arith.addi %mul3A_67, %add3A_68 : i32
      %dma_start3A_70 = arith.constant 0 : i32
      %dma_start3A_71 = tpu.memref_slice %arg8[%add3A_69, %dma_start3A_70] : memref<42x128xi32, #tpu.memory_space<vmem>> -> memref<1x128xi32, #tpu.memory_space<vmem>>
      %dma_start3A_72 = tpu.memref_squeeze %dma_start3A_71 : memref<1x128xi32, #tpu.memory_space<vmem>> -> memref<128xi32, #tpu.memory_space<vmem>>
      %dma_start3A_73 = arith.constant 0 : i32
      %dma_start3A_74 = arith.constant 0 : i32
      %dma_start3A_75 = tpu.memref_slice %arg2[%dma_start3A_73, %dma_start3A_74] : memref<1015808x32xf32, #tpu.memory_space<hbm>> -> memref<1015808x32xf32, #tpu.memory_space<hbm>>
      tpu.enqueue_indirect_dma source(%dma_start3A_75 : memref<1015808x32xf32, #tpu.memory_space<hbm>>) target(%arg15 : memref<128x32xf32, #tpu.memory_space<vmem>>) offsets(%dma_start3A_72 : memref<128xi32, #tpu.memory_space<vmem>>) semaphore(%arg21 : memref<!tpu.dma_semaphore, #tpu.memory_space<semaphore_mem>>)
      %mul3A_76 = arith.constant 6 : i32
      %mul3A_77 = arith.muli %scan3A_16, %mul3A_76 : i32
      %add3A_78 = arith.constant 0 : i32
      %add3A_79 = arith.addi %mul3A_77, %add3A_78 : i32
      %dma_wait3A = arith.constant 0 : i32
      %dma_wait3A_80 = tpu.memref_slice %arg8[%add3A_20, %dma_wait3A] : memref<42x128xi32, #tpu.memory_space<vmem>> -> memref<1x128xi32, #tpu.memory_space<vmem>>
      %dma_wait3A_81 = tpu.memref_squeeze %dma_wait3A_80 : memref<1x128xi32, #tpu.memory_space<vmem>> -> memref<128xi32, #tpu.memory_space<vmem>>
      %dma_wait3A_82 = arith.constant 0 : i32
      %dma_wait3A_83 = arith.constant 0 : i32
      %dma_wait3A_84 = tpu.memref_slice %arg2[%dma_wait3A_82, %dma_wait3A_83] : memref<1015808x32xf32, #tpu.memory_space<hbm>> -> memref<1015808x32xf32, #tpu.memory_space<hbm>>
      tpu.wait_indirect_dma semaphore(%arg16 : memref<!tpu.dma_semaphore, #tpu.memory_space<semaphore_mem>>) src(%dma_wait3A_84 : memref<1015808x32xf32, #tpu.memory_space<hbm>>) dst(%arg10 : memref<128x32xf32, #tpu.memory_space<vmem>>)
      %mul3A_85 = arith.constant 128 : i32
      %mul3A_86 = arith.muli %add3A_79, %mul3A_85 : i32
      %add3A_87 = arith.addi %mul3A_2, %mul3A_86 : i32
      %dma_start3A_88 = arith.constant 0 : i32
      %dma_start3A_89 = tpu.memref_slice %arg6[%add3A_87, %dma_start3A_88] : memref<172032x32xf32, #tpu.memory_space<hbm>> -> memref<128x32xf32, #tpu.memory_space<hbm>>
      %dma_start3A_90 = arith.constant 0 : i32
      %dma_start3A_91 = tpu.memref_slice %arg6[%add3A_87, %dma_start3A_90] : memref<172032x32xf32, #tpu.memory_space<hbm>> -> memref<128x32xf32, #tpu.memory_space<hbm>>
      tpu.enqueue_dma source(%arg10 : memref<128x32xf32, #tpu.memory_space<vmem>>) target(%dma_start3A_91 : memref<128x32xf32, #tpu.memory_space<hbm>>) target_semaphore(%arg22 : memref<!tpu.dma_semaphore, #tpu.memory_space<semaphore_mem>>)
      %mul3A_92 = arith.constant 6 : i32
      %mul3A_93 = arith.muli %scan3A_16, %mul3A_92 : i32
      %add3A_94 = arith.constant 1 : i32
      %add3A_95 = arith.addi %mul3A_93, %add3A_94 : i32
      %dma_wait3A_96 = arith.constant 0 : i32
      %dma_wait3A_97 = tpu.memref_slice %arg8[%add3A_29, %dma_wait3A_96] : memref<42x128xi32, #tpu.memory_space<vmem>> -> memref<1x128xi32, #tpu.memory_space<vmem>>
      %dma_wait3A_98 = tpu.memref_squeeze %dma_wait3A_97 : memref<1x128xi32, #tpu.memory_space<vmem>> -> memref<128xi32, #tpu.memory_space<vmem>>
      %dma_wait3A_99 = arith.constant 0 : i32
      %dma_wait3A_100 = arith.constant 0 : i32
      %dma_wait3A_101 = tpu.memref_slice %arg2[%dma_wait3A_99, %dma_wait3A_100] : memref<1015808x32xf32, #tpu.memory_space<hbm>> -> memref<1015808x32xf32, #tpu.memory_space<hbm>>
      tpu.wait_indirect_dma semaphore(%arg17 : memref<!tpu.dma_semaphore, #tpu.memory_space<semaphore_mem>>) src(%dma_wait3A_101 : memref<1015808x32xf32, #tpu.memory_space<hbm>>) dst(%arg11 : memref<128x32xf32, #tpu.memory_space<vmem>>)
      %mul3A_102 = arith.constant 128 : i32
      %mul3A_103 = arith.muli %add3A_95, %mul3A_102 : i32
      %add3A_104 = arith.addi %mul3A_2, %mul3A_103 : i32
      %dma_start3A_105 = arith.constant 0 : i32
      %dma_start3A_106 = tpu.memref_slice %arg6[%add3A_104, %dma_start3A_105] : memref<172032x32xf32, #tpu.memory_space<hbm>> -> memref<128x32xf32, #tpu.memory_space<hbm>>
      %dma_start3A_107 = arith.constant 0 : i32
      %dma_start3A_108 = tpu.memref_slice %arg6[%add3A_104, %dma_start3A_107] : memref<172032x32xf32, #tpu.memory_space<hbm>> -> memref<128x32xf32, #tpu.memory_space<hbm>>
      tpu.enqueue_dma source(%arg11 : memref<128x32xf32, #tpu.memory_space<vmem>>) target(%dma_start3A_108 : memref<128x32xf32, #tpu.memory_space<hbm>>) target_semaphore(%arg23 : memref<!tpu.dma_semaphore, #tpu.memory_space<semaphore_mem>>)
      %mul3A_109 = arith.constant 6 : i32
      %mul3A_110 = arith.muli %scan3A_16, %mul3A_109 : i32
      %add3A_111 = arith.constant 2 : i32
      %add3A_112 = arith.addi %mul3A_110, %add3A_111 : i32
      %dma_wait3A_113 = arith.constant 0 : i32
      %dma_wait3A_114 = tpu.memref_slice %arg8[%add3A_39, %dma_wait3A_113] : memref<42x128xi32, #tpu.memory_space<vmem>> -> memref<1x128xi32, #tpu.memory_space<vmem>>
      %dma_wait3A_115 = tpu.memref_squeeze %dma_wait3A_114 : memref<1x128xi32, #tpu.memory_space<vmem>> -> memref<128xi32, #tpu.memory_space<vmem>>
      %dma_wait3A_116 = arith.constant 0 : i32
      %dma_wait3A_117 = arith.constant 0 : i32
      %dma_wait3A_118 = tpu.memref_slice %arg2[%dma_wait3A_116, %dma_wait3A_117] : memref<1015808x32xf32, #tpu.memory_space<hbm>> -> memref<1015808x32xf32, #tpu.memory_space<hbm>>
      tpu.wait_indirect_dma semaphore(%arg18 : memref<!tpu.dma_semaphore, #tpu.memory_space<semaphore_mem>>) src(%dma_wait3A_118 : memref<1015808x32xf32, #tpu.memory_space<hbm>>) dst(%arg12 : memref<128x32xf32, #tpu.memory_space<vmem>>)
      %mul3A_119 = arith.constant 128 : i32
      %mul3A_120 = arith.muli %add3A_112, %mul3A_119 : i32
      %add3A_121 = arith.addi %mul3A_2, %mul3A_120 : i32
      %dma_start3A_122 = arith.constant 0 : i32
      %dma_start3A_123 = tpu.memref_slice %arg6[%add3A_121, %dma_start3A_122] : memref<172032x32xf32, #tpu.memory_space<hbm>> -> memref<128x32xf32, #tpu.memory_space<hbm>>
      %dma_start3A_124 = arith.constant 0 : i32
      %dma_start3A_125 = tpu.memref_slice %arg6[%add3A_121, %dma_start3A_124] : memref<172032x32xf32, #tpu.memory_space<hbm>> -> memref<128x32xf32, #tpu.memory_space<hbm>>
      tpu.enqueue_dma source(%arg12 : memref<128x32xf32, #tpu.memory_space<vmem>>) target(%dma_start3A_125 : memref<128x32xf32, #tpu.memory_space<hbm>>) target_semaphore(%arg24 : memref<!tpu.dma_semaphore, #tpu.memory_space<semaphore_mem>>)
      %mul3A_126 = arith.constant 6 : i32
      %mul3A_127 = arith.muli %scan3A_16, %mul3A_126 : i32
      %add3A_128 = arith.constant 3 : i32
      %add3A_129 = arith.addi %mul3A_127, %add3A_128 : i32
      %dma_wait3A_130 = arith.constant 0 : i32
      %dma_wait3A_131 = tpu.memref_slice %arg8[%add3A_49, %dma_wait3A_130] : memref<42x128xi32, #tpu.memory_space<vmem>> -> memref<1x128xi32, #tpu.memory_space<vmem>>
      %dma_wait3A_132 = tpu.memref_squeeze %dma_wait3A_131 : memref<1x128xi32, #tpu.memory_space<vmem>> -> memref<128xi32, #tpu.memory_space<vmem>>
      %dma_wait3A_133 = arith.constant 0 : i32
      %dma_wait3A_134 = arith.constant 0 : i32
      %dma_wait3A_135 = tpu.memref_slice %arg2[%dma_wait3A_133, %dma_wait3A_134] : memref<1015808x32xf32, #tpu.memory_space<hbm>> -> memref<1015808x32xf32, #tpu.memory_space<hbm>>
      tpu.wait_indirect_dma semaphore(%arg19 : memref<!tpu.dma_semaphore, #tpu.memory_space<semaphore_mem>>) src(%dma_wait3A_135 : memref<1015808x32xf32, #tpu.memory_space<hbm>>) dst(%arg13 : memref<128x32xf32, #tpu.memory_space<vmem>>)
      %mul3A_136 = arith.constant 128 : i32
      %mul3A_137 = arith.muli %add3A_129, %mul3A_136 : i32
      %add3A_138 = arith.addi %mul3A_2, %mul3A_137 : i32
      %dma_start3A_139 = arith.constant 0 : i32
      %dma_start3A_140 = tpu.memref_slice %arg6[%add3A_138, %dma_start3A_139] : memref<172032x32xf32, #tpu.memory_space<hbm>> -> memref<128x32xf32, #tpu.memory_space<hbm>>
      %dma_start3A_141 = arith.constant 0 : i32
      %dma_start3A_142 = tpu.memref_slice %arg6[%add3A_138, %dma_start3A_141] : memref<172032x32xf32, #tpu.memory_space<hbm>> -> memref<128x32xf32, #tpu.memory_space<hbm>>
      tpu.enqueue_dma source(%arg13 : memref<128x32xf32, #tpu.memory_space<vmem>>) target(%dma_start3A_142 : memref<128x32xf32, #tpu.memory_space<hbm>>) target_semaphore(%arg25 : memref<!tpu.dma_semaphore, #tpu.memory_space<semaphore_mem>>)
      %mul3A_143 = arith.constant 6 : i32
      %mul3A_144 = arith.muli %scan3A_16, %mul3A_143 : i32
      %add3A_145 = arith.constant 4 : i32
      %add3A_146 = arith.addi %mul3A_144, %add3A_145 : i32
      %dma_wait3A_147 = arith.constant 0 : i32
      %dma_wait3A_148 = tpu.memref_slice %arg8[%add3A_59, %dma_wait3A_147] : memref<42x128xi32, #tpu.memory_space<vmem>> -> memref<1x128xi32, #tpu.memory_space<vmem>>
      %dma_wait3A_149 = tpu.memref_squeeze %dma_wait3A_148 : memref<1x128xi32, #tpu.memory_space<vmem>> -> memref<128xi32, #tpu.memory_space<vmem>>
      %dma_wait3A_150 = arith.constant 0 : i32
      %dma_wait3A_151 = arith.constant 0 : i32
      %dma_wait3A_152 = tpu.memref_slice %arg2[%dma_wait3A_150, %dma_wait3A_151] : memref<1015808x32xf32, #tpu.memory_space<hbm>> -> memref<1015808x32xf32, #tpu.memory_space<hbm>>
      tpu.wait_indirect_dma semaphore(%arg20 : memref<!tpu.dma_semaphore, #tpu.memory_space<semaphore_mem>>) src(%dma_wait3A_152 : memref<1015808x32xf32, #tpu.memory_space<hbm>>) dst(%arg14 : memref<128x32xf32, #tpu.memory_space<vmem>>)
      %mul3A_153 = arith.constant 128 : i32
      %mul3A_154 = arith.muli %add3A_146, %mul3A_153 : i32
      %add3A_155 = arith.addi %mul3A_2, %mul3A_154 : i32
      %dma_start3A_156 = arith.constant 0 : i32
      %dma_start3A_157 = tpu.memref_slice %arg6[%add3A_155, %dma_start3A_156] : memref<172032x32xf32, #tpu.memory_space<hbm>> -> memref<128x32xf32, #tpu.memory_space<hbm>>
      %dma_start3A_158 = arith.constant 0 : i32
      %dma_start3A_159 = tpu.memref_slice %arg6[%add3A_155, %dma_start3A_158] : memref<172032x32xf32, #tpu.memory_space<hbm>> -> memref<128x32xf32, #tpu.memory_space<hbm>>
      tpu.enqueue_dma source(%arg14 : memref<128x32xf32, #tpu.memory_space<vmem>>) target(%dma_start3A_159 : memref<128x32xf32, #tpu.memory_space<hbm>>) target_semaphore(%arg26 : memref<!tpu.dma_semaphore, #tpu.memory_space<semaphore_mem>>)
      %mul3A_160 = arith.constant 6 : i32
      %mul3A_161 = arith.muli %scan3A_16, %mul3A_160 : i32
      %add3A_162 = arith.constant 5 : i32
      %add3A_163 = arith.addi %mul3A_161, %add3A_162 : i32
      %dma_wait3A_164 = arith.constant 0 : i32
      %dma_wait3A_165 = tpu.memref_slice %arg8[%add3A_69, %dma_wait3A_164] : memref<42x128xi32, #tpu.memory_space<vmem>> -> memref<1x128xi32, #tpu.memory_space<vmem>>
      %dma_wait3A_166 = tpu.memref_squeeze %dma_wait3A_165 : memref<1x128xi32, #tpu.memory_space<vmem>> -> memref<128xi32, #tpu.memory_space<vmem>>
      %dma_wait3A_167 = arith.constant 0 : i32
      %dma_wait3A_168 = arith.constant 0 : i32
      %dma_wait3A_169 = tpu.memref_slice %arg2[%dma_wait3A_167, %dma_wait3A_168] : memref<1015808x32xf32, #tpu.memory_space<hbm>> -> memref<1015808x32xf32, #tpu.memory_space<hbm>>
      tpu.wait_indirect_dma semaphore(%arg21 : memref<!tpu.dma_semaphore, #tpu.memory_space<semaphore_mem>>) src(%dma_wait3A_169 : memref<1015808x32xf32, #tpu.memory_space<hbm>>) dst(%arg15 : memref<128x32xf32, #tpu.memory_space<vmem>>)
      %mul3A_170 = arith.constant 128 : i32
      %mul3A_171 = arith.muli %add3A_163, %mul3A_170 : i32
      %add3A_172 = arith.addi %mul3A_2, %mul3A_171 : i32
      %dma_start3A_173 = arith.constant 0 : i32
      %dma_start3A_174 = tpu.memref_slice %arg6[%add3A_172, %dma_start3A_173] : memref<172032x32xf32, #tpu.memory_space<hbm>> -> memref<128x32xf32, #tpu.memory_space<hbm>>
      %dma_start3A_175 = arith.constant 0 : i32
      %dma_start3A_176 = tpu.memref_slice %arg6[%add3A_172, %dma_start3A_175] : memref<172032x32xf32, #tpu.memory_space<hbm>> -> memref<128x32xf32, #tpu.memory_space<hbm>>
      tpu.enqueue_dma source(%arg15 : memref<128x32xf32, #tpu.memory_space<vmem>>) target(%dma_start3A_176 : memref<128x32xf32, #tpu.memory_space<hbm>>) target_semaphore(%arg27 : memref<!tpu.dma_semaphore, #tpu.memory_space<semaphore_mem>>)
      %dma_wait3A_177 = arith.constant 0 : i32
      %dma_wait3A_178 = tpu.memref_slice %arg6[%add3A_87, %dma_wait3A_177] : memref<172032x32xf32, #tpu.memory_space<hbm>> -> memref<128x32xf32, #tpu.memory_space<hbm>>
      %dma_wait3A_179 = arith.constant 0 : i32
      %dma_wait3A_180 = tpu.memref_slice %arg6[%add3A_87, %dma_wait3A_179] : memref<172032x32xf32, #tpu.memory_space<hbm>> -> memref<128x32xf32, #tpu.memory_space<hbm>>
      tpu.wait_dma2 semaphore(%arg22 : memref<!tpu.dma_semaphore, #tpu.memory_space<semaphore_mem>>) src(%arg10 : memref<128x32xf32, #tpu.memory_space<vmem>>) dst(%dma_wait3A_180 : memref<128x32xf32, #tpu.memory_space<hbm>>)
      %dma_wait3A_181 = arith.constant 0 : i32
      %dma_wait3A_182 = tpu.memref_slice %arg6[%add3A_104, %dma_wait3A_181] : memref<172032x32xf32, #tpu.memory_space<hbm>> -> memref<128x32xf32, #tpu.memory_space<hbm>>
      %dma_wait3A_183 = arith.constant 0 : i32
      %dma_wait3A_184 = tpu.memref_slice %arg6[%add3A_104, %dma_wait3A_183] : memref<172032x32xf32, #tpu.memory_space<hbm>> -> memref<128x32xf32, #tpu.memory_space<hbm>>
      tpu.wait_dma2 semaphore(%arg23 : memref<!tpu.dma_semaphore, #tpu.memory_space<semaphore_mem>>) src(%arg11 : memref<128x32xf32, #tpu.memory_space<vmem>>) dst(%dma_wait3A_184 : memref<128x32xf32, #tpu.memory_space<hbm>>)
      %dma_wait3A_185 = arith.constant 0 : i32
      %dma_wait3A_186 = tpu.memref_slice %arg6[%add3A_121, %dma_wait3A_185] : memref<172032x32xf32, #tpu.memory_space<hbm>> -> memref<128x32xf32, #tpu.memory_space<hbm>>
      %dma_wait3A_187 = arith.constant 0 : i32
      %dma_wait3A_188 = tpu.memref_slice %arg6[%add3A_121, %dma_wait3A_187] : memref<172032x32xf32, #tpu.memory_space<hbm>> -> memref<128x32xf32, #tpu.memory_space<hbm>>
      tpu.wait_dma2 semaphore(%arg24 : memref<!tpu.dma_semaphore, #tpu.memory_space<semaphore_mem>>) src(%arg12 : memref<128x32xf32, #tpu.memory_space<vmem>>) dst(%dma_wait3A_188 : memref<128x32xf32, #tpu.memory_space<hbm>>)
      %dma_wait3A_189 = arith.constant 0 : i32
      %dma_wait3A_190 = tpu.memref_slice %arg6[%add3A_138, %dma_wait3A_189] : memref<172032x32xf32, #tpu.memory_space<hbm>> -> memref<128x32xf32, #tpu.memory_space<hbm>>
      %dma_wait3A_191 = arith.constant 0 : i32
      %dma_wait3A_192 = tpu.memref_slice %arg6[%add3A_138, %dma_wait3A_191] : memref<172032x32xf32, #tpu.memory_space<hbm>> -> memref<128x32xf32, #tpu.memory_space<hbm>>
      tpu.wait_dma2 semaphore(%arg25 : memref<!tpu.dma_semaphore, #tpu.memory_space<semaphore_mem>>) src(%arg13 : memref<128x32xf32, #tpu.memory_space<vmem>>) dst(%dma_wait3A_192 : memref<128x32xf32, #tpu.memory_space<hbm>>)
      %dma_wait3A_193 = arith.constant 0 : i32
      %dma_wait3A_194 = tpu.memref_slice %arg6[%add3A_155, %dma_wait3A_193] : memref<172032x32xf32, #tpu.memory_space<hbm>> -> memref<128x32xf32, #tpu.memory_space<hbm>>
      %dma_wait3A_195 = arith.constant 0 : i32
      %dma_wait3A_196 = tpu.memref_slice %arg6[%add3A_155, %dma_wait3A_195] : memref<172032x32xf32, #tpu.memory_space<hbm>> -> memref<128x32xf32, #tpu.memory_space<hbm>>
      tpu.wait_dma2 semaphore(%arg26 : memref<!tpu.dma_semaphore, #tpu.memory_space<semaphore_mem>>) src(%arg14 : memref<128x32xf32, #tpu.memory_space<vmem>>) dst(%dma_wait3A_196 : memref<128x32xf32, #tpu.memory_space<hbm>>)
      %dma_wait3A_197 = arith.constant 0 : i32
      %dma_wait3A_198 = tpu.memref_slice %arg6[%add3A_172, %dma_wait3A_197] : memref<172032x32xf32, #tpu.memory_space<hbm>> -> memref<128x32xf32, #tpu.memory_space<hbm>>
      %dma_wait3A_199 = arith.constant 0 : i32
      %dma_wait3A_200 = tpu.memref_slice %arg6[%add3A_172, %dma_wait3A_199] : memref<172032x32xf32, #tpu.memory_space<hbm>> -> memref<128x32xf32, #tpu.memory_space<hbm>>
      tpu.wait_dma2 semaphore(%arg27 : memref<!tpu.dma_semaphore, #tpu.memory_space<semaphore_mem>>) src(%arg15 : memref<128x32xf32, #tpu.memory_space<vmem>>) dst(%dma_wait3A_200 : memref<128x32xf32, #tpu.memory_space<hbm>>)
    }
    %scan3A_7 = arith.constant 7 : i32
    %mul3A_8 = arith.constant 2688 : i32
    %mul3A_9 = arith.muli %add3A, %mul3A_8 : i32
    %scan3A_10 = arith.constant 0 : i32
    %scan3A_11 = arith.constant 0 : i32
    %scan3A_12 = arith.constant 7 : i32
    %scan3A_13 = arith.addi %scan3A_11, %scan3A_12 : i32
    %scan3A_14 = arith.constant 1 : i32
    scf.for %scan3A_16 = %scan3A_11 to %scan3A_13 step %scan3A_14  : i32 {
      %mul3A_17 = arith.constant 3 : i32
      %mul3A_18 = arith.muli %scan3A_16, %mul3A_17 : i32
      %add3A_19 = arith.constant 0 : i32
      %add3A_20 = arith.addi %mul3A_18, %add3A_19 : i32
      %dma_start3A = arith.constant 0 : i32
      %dma_start3A_21 = tpu.memref_slice %arg9[%add3A_20, %dma_start3A] : memref<21x128xi32, #tpu.memory_space<vmem>> -> memref<1x128xi32, #tpu.memory_space<vmem>>
      %dma_start3A_22 = tpu.memref_squeeze %dma_start3A_21 : memref<1x128xi32, #tpu.memory_space<vmem>> -> memref<128xi32, #tpu.memory_space<vmem>>
      %dma_start3A_23 = arith.constant 0 : i32
      %dma_start3A_24 = arith.constant 0 : i32
      %dma_start3A_25 = tpu.memref_slice %arg3[%dma_start3A_23, %dma_start3A_24] : memref<1024x32xf32, #tpu.memory_space<hbm>> -> memref<1024x32xf32, #tpu.memory_space<hbm>>
      tpu.enqueue_indirect_dma source(%dma_start3A_25 : memref<1024x32xf32, #tpu.memory_space<hbm>>) target(%arg10 : memref<128x32xf32, #tpu.memory_space<vmem>>) offsets(%dma_start3A_22 : memref<128xi32, #tpu.memory_space<vmem>>) semaphore(%arg16 : memref<!tpu.dma_semaphore, #tpu.memory_space<semaphore_mem>>)
      %mul3A_26 = arith.constant 3 : i32
      %mul3A_27 = arith.muli %scan3A_16, %mul3A_26 : i32
      %add3A_28 = arith.constant 1 : i32
      %add3A_29 = arith.addi %mul3A_27, %add3A_28 : i32
      %dma_start3A_30 = arith.constant 0 : i32
      %dma_start3A_31 = tpu.memref_slice %arg9[%add3A_29, %dma_start3A_30] : memref<21x128xi32, #tpu.memory_space<vmem>> -> memref<1x128xi32, #tpu.memory_space<vmem>>
      %dma_start3A_32 = tpu.memref_squeeze %dma_start3A_31 : memref<1x128xi32, #tpu.memory_space<vmem>> -> memref<128xi32, #tpu.memory_space<vmem>>
      %dma_start3A_33 = arith.constant 0 : i32
      %dma_start3A_34 = arith.constant 0 : i32
      %dma_start3A_35 = tpu.memref_slice %arg3[%dma_start3A_33, %dma_start3A_34] : memref<1024x32xf32, #tpu.memory_space<hbm>> -> memref<1024x32xf32, #tpu.memory_space<hbm>>
      tpu.enqueue_indirect_dma source(%dma_start3A_35 : memref<1024x32xf32, #tpu.memory_space<hbm>>) target(%arg11 : memref<128x32xf32, #tpu.memory_space<vmem>>) offsets(%dma_start3A_32 : memref<128xi32, #tpu.memory_space<vmem>>) semaphore(%arg17 : memref<!tpu.dma_semaphore, #tpu.memory_space<semaphore_mem>>)
      %mul3A_36 = arith.constant 3 : i32
      %mul3A_37 = arith.muli %scan3A_16, %mul3A_36 : i32
      %add3A_38 = arith.constant 2 : i32
      %add3A_39 = arith.addi %mul3A_37, %add3A_38 : i32
      %dma_start3A_40 = arith.constant 0 : i32
      %dma_start3A_41 = tpu.memref_slice %arg9[%add3A_39, %dma_start3A_40] : memref<21x128xi32, #tpu.memory_space<vmem>> -> memref<1x128xi32, #tpu.memory_space<vmem>>
      %dma_start3A_42 = tpu.memref_squeeze %dma_start3A_41 : memref<1x128xi32, #tpu.memory_space<vmem>> -> memref<128xi32, #tpu.memory_space<vmem>>
      %dma_start3A_43 = arith.constant 0 : i32
      %dma_start3A_44 = arith.constant 0 : i32
      %dma_start3A_45 = tpu.memref_slice %arg3[%dma_start3A_43, %dma_start3A_44] : memref<1024x32xf32, #tpu.memory_space<hbm>> -> memref<1024x32xf32, #tpu.memory_space<hbm>>
      tpu.enqueue_indirect_dma source(%dma_start3A_45 : memref<1024x32xf32, #tpu.memory_space<hbm>>) target(%arg12 : memref<128x32xf32, #tpu.memory_space<vmem>>) offsets(%dma_start3A_42 : memref<128xi32, #tpu.memory_space<vmem>>) semaphore(%arg18 : memref<!tpu.dma_semaphore, #tpu.memory_space<semaphore_mem>>)
      %mul3A_46 = arith.constant 3 : i32
      %mul3A_47 = arith.muli %scan3A_16, %mul3A_46 : i32
      %add3A_48 = arith.constant 0 : i32
      %add3A_49 = arith.addi %mul3A_47, %add3A_48 : i32
      %dma_wait3A = arith.constant 0 : i32
      %dma_wait3A_50 = tpu.memref_slice %arg9[%add3A_20, %dma_wait3A] : memref<21x128xi32, #tpu.memory_space<vmem>> -> memref<1x128xi32, #tpu.memory_space<vmem>>
      %dma_wait3A_51 = tpu.memref_squeeze %dma_wait3A_50 : memref<1x128xi32, #tpu.memory_space<vmem>> -> memref<128xi32, #tpu.memory_space<vmem>>
      %dma_wait3A_52 = arith.constant 0 : i32
      %dma_wait3A_53 = arith.constant 0 : i32
      %dma_wait3A_54 = tpu.memref_slice %arg3[%dma_wait3A_52, %dma_wait3A_53] : memref<1024x32xf32, #tpu.memory_space<hbm>> -> memref<1024x32xf32, #tpu.memory_space<hbm>>
      tpu.wait_indirect_dma semaphore(%arg16 : memref<!tpu.dma_semaphore, #tpu.memory_space<semaphore_mem>>) src(%dma_wait3A_54 : memref<1024x32xf32, #tpu.memory_space<hbm>>) dst(%arg10 : memref<128x32xf32, #tpu.memory_space<vmem>>)
      %mul3A_55 = arith.constant 128 : i32
      %mul3A_56 = arith.muli %add3A_49, %mul3A_55 : i32
      %add3A_57 = arith.addi %mul3A_9, %mul3A_56 : i32
      %dma_start3A_58 = arith.constant 0 : i32
      %dma_start3A_59 = tpu.memref_slice %arg7[%add3A_57, %dma_start3A_58] : memref<86016x32xf32, #tpu.memory_space<hbm>> -> memref<128x32xf32, #tpu.memory_space<hbm>>
      %dma_start3A_60 = arith.constant 0 : i32
      %dma_start3A_61 = tpu.memref_slice %arg7[%add3A_57, %dma_start3A_60] : memref<86016x32xf32, #tpu.memory_space<hbm>> -> memref<128x32xf32, #tpu.memory_space<hbm>>
      tpu.enqueue_dma source(%arg10 : memref<128x32xf32, #tpu.memory_space<vmem>>) target(%dma_start3A_61 : memref<128x32xf32, #tpu.memory_space<hbm>>) target_semaphore(%arg22 : memref<!tpu.dma_semaphore, #tpu.memory_space<semaphore_mem>>)
      %mul3A_62 = arith.constant 3 : i32
      %mul3A_63 = arith.muli %scan3A_16, %mul3A_62 : i32
      %add3A_64 = arith.constant 1 : i32
      %add3A_65 = arith.addi %mul3A_63, %add3A_64 : i32
      %dma_wait3A_66 = arith.constant 0 : i32
      %dma_wait3A_67 = tpu.memref_slice %arg9[%add3A_29, %dma_wait3A_66] : memref<21x128xi32, #tpu.memory_space<vmem>> -> memref<1x128xi32, #tpu.memory_space<vmem>>
      %dma_wait3A_68 = tpu.memref_squeeze %dma_wait3A_67 : memref<1x128xi32, #tpu.memory_space<vmem>> -> memref<128xi32, #tpu.memory_space<vmem>>
      %dma_wait3A_69 = arith.constant 0 : i32
      %dma_wait3A_70 = arith.constant 0 : i32
      %dma_wait3A_71 = tpu.memref_slice %arg3[%dma_wait3A_69, %dma_wait3A_70] : memref<1024x32xf32, #tpu.memory_space<hbm>> -> memref<1024x32xf32, #tpu.memory_space<hbm>>
      tpu.wait_indirect_dma semaphore(%arg17 : memref<!tpu.dma_semaphore, #tpu.memory_space<semaphore_mem>>) src(%dma_wait3A_71 : memref<1024x32xf32, #tpu.memory_space<hbm>>) dst(%arg11 : memref<128x32xf32, #tpu.memory_space<vmem>>)
      %mul3A_72 = arith.constant 128 : i32
      %mul3A_73 = arith.muli %add3A_65, %mul3A_72 : i32
      %add3A_74 = arith.addi %mul3A_9, %mul3A_73 : i32
      %dma_start3A_75 = arith.constant 0 : i32
      %dma_start3A_76 = tpu.memref_slice %arg7[%add3A_74, %dma_start3A_75] : memref<86016x32xf32, #tpu.memory_space<hbm>> -> memref<128x32xf32, #tpu.memory_space<hbm>>
      %dma_start3A_77 = arith.constant 0 : i32
      %dma_start3A_78 = tpu.memref_slice %arg7[%add3A_74, %dma_start3A_77] : memref<86016x32xf32, #tpu.memory_space<hbm>> -> memref<128x32xf32, #tpu.memory_space<hbm>>
      tpu.enqueue_dma source(%arg11 : memref<128x32xf32, #tpu.memory_space<vmem>>) target(%dma_start3A_78 : memref<128x32xf32, #tpu.memory_space<hbm>>) target_semaphore(%arg23 : memref<!tpu.dma_semaphore, #tpu.memory_space<semaphore_mem>>)
      %mul3A_79 = arith.constant 3 : i32
      %mul3A_80 = arith.muli %scan3A_16, %mul3A_79 : i32
      %add3A_81 = arith.constant 2 : i32
      %add3A_82 = arith.addi %mul3A_80, %add3A_81 : i32
      %dma_wait3A_83 = arith.constant 0 : i32
      %dma_wait3A_84 = tpu.memref_slice %arg9[%add3A_39, %dma_wait3A_83] : memref<21x128xi32, #tpu.memory_space<vmem>> -> memref<1x128xi32, #tpu.memory_space<vmem>>
      %dma_wait3A_85 = tpu.memref_squeeze %dma_wait3A_84 : memref<1x128xi32, #tpu.memory_space<vmem>> -> memref<128xi32, #tpu.memory_space<vmem>>
      %dma_wait3A_86 = arith.constant 0 : i32
      %dma_wait3A_87 = arith.constant 0 : i32
      %dma_wait3A_88 = tpu.memref_slice %arg3[%dma_wait3A_86, %dma_wait3A_87] : memref<1024x32xf32, #tpu.memory_space<hbm>> -> memref<1024x32xf32, #tpu.memory_space<hbm>>
      tpu.wait_indirect_dma semaphore(%arg18 : memref<!tpu.dma_semaphore, #tpu.memory_space<semaphore_mem>>) src(%dma_wait3A_88 : memref<1024x32xf32, #tpu.memory_space<hbm>>) dst(%arg12 : memref<128x32xf32, #tpu.memory_space<vmem>>)
      %mul3A_89 = arith.constant 128 : i32
      %mul3A_90 = arith.muli %add3A_82, %mul3A_89 : i32
      %add3A_91 = arith.addi %mul3A_9, %mul3A_90 : i32
      %dma_start3A_92 = arith.constant 0 : i32
      %dma_start3A_93 = tpu.memref_slice %arg7[%add3A_91, %dma_start3A_92] : memref<86016x32xf32, #tpu.memory_space<hbm>> -> memref<128x32xf32, #tpu.memory_space<hbm>>
      %dma_start3A_94 = arith.constant 0 : i32
      %dma_start3A_95 = tpu.memref_slice %arg7[%add3A_91, %dma_start3A_94] : memref<86016x32xf32, #tpu.memory_space<hbm>> -> memref<128x32xf32, #tpu.memory_space<hbm>>
      tpu.enqueue_dma source(%arg12 : memref<128x32xf32, #tpu.memory_space<vmem>>) target(%dma_start3A_95 : memref<128x32xf32, #tpu.memory_space<hbm>>) target_semaphore(%arg24 : memref<!tpu.dma_semaphore, #tpu.memory_space<semaphore_mem>>)
      %dma_wait3A_96 = arith.constant 0 : i32
      %dma_wait3A_97 = tpu.memref_slice %arg7[%add3A_57, %dma_wait3A_96] : memref<86016x32xf32, #tpu.memory_space<hbm>> -> memref<128x32xf32, #tpu.memory_space<hbm>>
      %dma_wait3A_98 = arith.constant 0 : i32
      %dma_wait3A_99 = tpu.memref_slice %arg7[%add3A_57, %dma_wait3A_98] : memref<86016x32xf32, #tpu.memory_space<hbm>> -> memref<128x32xf32, #tpu.memory_space<hbm>>
      tpu.wait_dma2 semaphore(%arg22 : memref<!tpu.dma_semaphore, #tpu.memory_space<semaphore_mem>>) src(%arg10 : memref<128x32xf32, #tpu.memory_space<vmem>>) dst(%dma_wait3A_99 : memref<128x32xf32, #tpu.memory_space<hbm>>)
      %dma_wait3A_100 = arith.constant 0 : i32
      %dma_wait3A_101 = tpu.memref_slice %arg7[%add3A_74, %dma_wait3A_100] : memref<86016x32xf32, #tpu.memory_space<hbm>> -> memref<128x32xf32, #tpu.memory_space<hbm>>
      %dma_wait3A_102 = arith.constant 0 : i32
      %dma_wait3A_103 = tpu.memref_slice %arg7[%add3A_74, %dma_wait3A_102] : memref<86016x32xf32, #tpu.memory_space<hbm>> -> memref<128x32xf32, #tpu.memory_space<hbm>>
      tpu.wait_dma2 semaphore(%arg23 : memref<!tpu.dma_semaphore, #tpu.memory_space<semaphore_mem>>) src(%arg11 : memref<128x32xf32, #tpu.memory_space<vmem>>) dst(%dma_wait3A_103 : memref<128x32xf32, #tpu.memory_space<hbm>>)
      %dma_wait3A_104 = arith.constant 0 : i32
      %dma_wait3A_105 = tpu.memref_slice %arg7[%add3A_91, %dma_wait3A_104] : memref<86016x32xf32, #tpu.memory_space<hbm>> -> memref<128x32xf32, #tpu.memory_space<hbm>>
      %dma_wait3A_106 = arith.constant 0 : i32
      %dma_wait3A_107 = tpu.memref_slice %arg7[%add3A_91, %dma_wait3A_106] : memref<86016x32xf32, #tpu.memory_space<hbm>> -> memref<128x32xf32, #tpu.memory_space<hbm>>
      tpu.wait_dma2 semaphore(%arg24 : memref<!tpu.dma_semaphore, #tpu.memory_space<semaphore_mem>>) src(%arg12 : memref<128x32xf32, #tpu.memory_space<vmem>>) dst(%dma_wait3A_107 : memref<128x32xf32, #tpu.memory_space<hbm>>)
    }
    %scan3A_15 = arith.constant 7 : i32
    return
  }
}

module attributes {stable_mosaic.version = 14 : i64} {
  func.func @_repack_body(%arg0: i32, %arg1: memref<64x1024xf32, #tpu.memory_space<vmem>>, %arg2: memref<256x128xf32, #tpu.memory_space<vmem>>) attributes {dimension_semantics = [#tpu.dimension_semantics<arbitrary>], iteration_bounds = array<i64: 1>, scalar_prefetch = 0 : i64, scratch_operands = 0 : i64, tpu.core_type = #tpu.core_type<tc>, window_params = [{transform_indices = @transform_0, window_bounds = array<i64: 64, 1024>}, {transform_indices = @transform_1, window_bounds = array<i64: 256, 128>}]} {
    %get3A = arith.constant 0 : index
    %get3A_0 = arith.constant 0 : index
    %get3A_1 = vector.load %arg1[%get3A, %get3A_0] : memref<64x1024xf32, #tpu.memory_space<vmem>>, vector<64x1024xf32>
    %bitcast_convert_type3A = tpu.bitcast %get3A_1 : vector<64x1024xf32> -> vector<64x1024xi32>
    %add3A = arith.constant 32768 : i32
    %add3A_2 = vector.broadcast %add3A : i32 to vector<64x1024xi32>
    %add3A_3 = arith.addi %bitcast_convert_type3A, %add3A_2 : vector<64x1024xi32>
    %shift_right_logical3A = arith.constant 16 : i32
    %shift_right_logical3A_4 = vector.broadcast %shift_right_logical3A : i32 to vector<64x1024xi32>
    %shift_right_logical3A_5 = arith.shrui %add3A_3, %shift_right_logical3A_4 : vector<64x1024xi32>
    %slice3A = vector.extract_strided_slice %shift_right_logical3A_5 {offsets = [0, 0], sizes = [32, 1024], strides = [1, 1]} : vector<64x1024xi32> to vector<32x1024xi32>
    %slice3A_6 = vector.extract_strided_slice %shift_right_logical3A_5 {offsets = [32, 0], sizes = [32, 1024], strides = [1, 1]} : vector<64x1024xi32> to vector<32x1024xi32>
    %shift_left3A = arith.constant 16 : i32
    %shift_left3A_7 = vector.broadcast %shift_left3A : i32 to vector<32x1024xi32>
    %shift_left3A_8 = arith.shli %slice3A_6, %shift_left3A_7 : vector<32x1024xi32>
    %or3A = arith.ori %slice3A, %shift_left3A_8 : vector<32x1024xi32>
    %bitcast_convert_type3A_9 = tpu.bitcast %or3A : vector<32x1024xi32> -> vector<32x1024xf32>
    %slice3A_10 = vector.extract_strided_slice %bitcast_convert_type3A_9 {offsets = [0, 0], sizes = [32, 256], strides = [1, 1]} : vector<32x1024xf32> to vector<32x256xf32>
    %slice3A_11 = vector.extract_strided_slice %bitcast_convert_type3A_9 {offsets = [0, 256], sizes = [32, 256], strides = [1, 1]} : vector<32x1024xf32> to vector<32x256xf32>
    %slice3A_12 = vector.extract_strided_slice %bitcast_convert_type3A_9 {offsets = [0, 512], sizes = [32, 256], strides = [1, 1]} : vector<32x1024xf32> to vector<32x256xf32>
    %slice3A_13 = vector.extract_strided_slice %bitcast_convert_type3A_9 {offsets = [0, 768], sizes = [32, 256], strides = [1, 1]} : vector<32x1024xf32> to vector<32x256xf32>
    %concatenate3A = tpu.concatenate %slice3A_10, %slice3A_11, %slice3A_12, %slice3A_13 in 0 : vector<32x256xf32>, vector<32x256xf32>, vector<32x256xf32>, vector<32x256xf32> -> vector<128x256xf32>
    %transpose3A = tpu.transpose %concatenate3A, [1, 0] : vector<128x256xf32> -> vector<256x128xf32>
    %swap3A = arith.constant 0 : index
    %swap3A_14 = arith.constant 0 : index
    %swap3A_15 = vector.load %arg2[%swap3A, %swap3A_14] : memref<256x128xf32, #tpu.memory_space<vmem>>, vector<256x128xf32>
    tpu.vector_store %arg2[%swap3A, %swap3A_14], %transpose3A {strides = array<i32>} : memref<256x128xf32, #tpu.memory_space<vmem>>, vector<256x128xf32>,
    return
  }
  func.func @transform_0(%arg0: i32) -> (i32, i32) {
    %c0_i32 = arith.constant 0 : i32
    %c0_i32_0 = arith.constant 0 : i32
    return %c0_i32, %arg0 : i32, i32
  }
  func.func @transform_1(%arg0: i32) -> (i32, i32) {
    %c0_i32 = arith.constant 0 : i32
    %c0_i32_0 = arith.constant 0 : i32
    return %arg0, %c0_i32 : i32, i32
  }
}

module attributes {stable_mosaic.version = 14 : i64} {
  func.func @_repack_body(%arg0: i32, %arg1: memref<64x32768xf32, #tpu.memory_space<vmem>>, %arg2: memref<8192x128xf32, #tpu.memory_space<vmem>>) attributes {dimension_semantics = [#tpu.dimension_semantics<arbitrary>], iteration_bounds = array<i64: 31>, scalar_prefetch = 0 : i64, scratch_operands = 0 : i64, tpu.core_type = #tpu.core_type<tc>, window_params = [{transform_indices = @transform_0, window_bounds = array<i64: 64, 32768>}, {transform_indices = @transform_1, window_bounds = array<i64: 8192, 128>}]} {
    %get3A = arith.constant 0 : index
    %get3A_0 = arith.constant 0 : index
    %get3A_1 = vector.load %arg1[%get3A, %get3A_0] : memref<64x32768xf32, #tpu.memory_space<vmem>>, vector<64x32768xf32>
    %bitcast_convert_type3A = tpu.bitcast %get3A_1 : vector<64x32768xf32> -> vector<64x32768xi32>
    %add3A = arith.constant 32768 : i32
    %add3A_2 = vector.broadcast %add3A : i32 to vector<64x32768xi32>
    %add3A_3 = arith.addi %bitcast_convert_type3A, %add3A_2 : vector<64x32768xi32>
    %shift_right_logical3A = arith.constant 16 : i32
    %shift_right_logical3A_4 = vector.broadcast %shift_right_logical3A : i32 to vector<64x32768xi32>
    %shift_right_logical3A_5 = arith.shrui %add3A_3, %shift_right_logical3A_4 : vector<64x32768xi32>
    %slice3A = vector.extract_strided_slice %shift_right_logical3A_5 {offsets = [0, 0], sizes = [32, 32768], strides = [1, 1]} : vector<64x32768xi32> to vector<32x32768xi32>
    %slice3A_6 = vector.extract_strided_slice %shift_right_logical3A_5 {offsets = [32, 0], sizes = [32, 32768], strides = [1, 1]} : vector<64x32768xi32> to vector<32x32768xi32>
    %shift_left3A = arith.constant 16 : i32
    %shift_left3A_7 = vector.broadcast %shift_left3A : i32 to vector<32x32768xi32>
    %shift_left3A_8 = arith.shli %slice3A_6, %shift_left3A_7 : vector<32x32768xi32>
    %or3A = arith.ori %slice3A, %shift_left3A_8 : vector<32x32768xi32>
    %bitcast_convert_type3A_9 = tpu.bitcast %or3A : vector<32x32768xi32> -> vector<32x32768xf32>
    %slice3A_10 = vector.extract_strided_slice %bitcast_convert_type3A_9 {offsets = [0, 0], sizes = [32, 8192], strides = [1, 1]} : vector<32x32768xf32> to vector<32x8192xf32>
    %slice3A_11 = vector.extract_strided_slice %bitcast_convert_type3A_9 {offsets = [0, 8192], sizes = [32, 8192], strides = [1, 1]} : vector<32x32768xf32> to vector<32x8192xf32>
    %slice3A_12 = vector.extract_strided_slice %bitcast_convert_type3A_9 {offsets = [0, 16384], sizes = [32, 8192], strides = [1, 1]} : vector<32x32768xf32> to vector<32x8192xf32>
    %slice3A_13 = vector.extract_strided_slice %bitcast_convert_type3A_9 {offsets = [0, 24576], sizes = [32, 8192], strides = [1, 1]} : vector<32x32768xf32> to vector<32x8192xf32>
    %concatenate3A = tpu.concatenate %slice3A_10, %slice3A_11, %slice3A_12, %slice3A_13 in 0 : vector<32x8192xf32>, vector<32x8192xf32>, vector<32x8192xf32>, vector<32x8192xf32> -> vector<128x8192xf32>
    %transpose3A = tpu.transpose %concatenate3A, [1, 0] : vector<128x8192xf32> -> vector<8192x128xf32>
    %swap3A = arith.constant 0 : index
    %swap3A_14 = arith.constant 0 : index
    %swap3A_15 = vector.load %arg2[%swap3A, %swap3A_14] : memref<8192x128xf32, #tpu.memory_space<vmem>>, vector<8192x128xf32>
    tpu.vector_store %arg2[%swap3A, %swap3A_14], %transpose3A {strides = array<i32>} : memref<8192x128xf32, #tpu.memory_space<vmem>>, vector<8192x128xf32>,
    return
  }
  func.func @transform_0(%arg0: i32) -> (i32, i32) {
    %c0_i32 = arith.constant 0 : i32
    %c0_i32_0 = arith.constant 0 : i32
    return %c0_i32, %arg0 : i32, i32
  }
  func.func @transform_1(%arg0: i32) -> (i32, i32) {
    %c0_i32 = arith.constant 0 : i32
    %c0_i32_0 = arith.constant 0 : i32
    return %arg0, %c0_i32 : i32, i32
  }
}

module attributes {stable_mosaic.version = 14 : i64} {
  func.func @_dense_body(%arg0: i32, %arg1: memref<1024x128xf32, #tpu.memory_space<vmem>>, %arg2: memref<1024x128xf32, #tpu.memory_space<vmem>>, %arg3: memref<1024x128xf32, #tpu.memory_space<vmem>>, %arg4: memref<4x1024xf32, #tpu.memory_space<vmem>>, %arg5: memref<1024x128xf32, #tpu.memory_space<vmem>>, %arg6: memref<1024x128xf32, #tpu.memory_space<vmem>>, %arg7: memref<1024x128xf32, #tpu.memory_space<vmem>>, %arg8: memref<1024x128xf32, #tpu.memory_space<vmem>>, %arg9: memref<1024x128xf32, #tpu.memory_space<vmem>>, %arg10: memref<1024x128xf32, #tpu.memory_space<vmem>>, %arg11: memref<128x256xbf16, #tpu.memory_space<vmem>>, %arg12: memref<128x256xbf16, #tpu.memory_space<vmem>>, %arg13: memref<128x256xbf16, #tpu.memory_space<vmem>>, %arg14: memref<128x256xbf16, #tpu.memory_space<vmem>>, %arg15: memref<4x256xf32, #tpu.memory_space<vmem>>, %arg16: memref<1x2xf32, #tpu.memory_space<vmem>>, %arg17: memref<1x1xf32, #tpu.memory_space<smem>>) attributes {dimension_semantics = [#tpu.dimension_semantics<arbitrary>], iteration_bounds = array<i64: 10>, scalar_prefetch = 0 : i64, scratch_operands = 0 : i64, tpu.core_type = #tpu.core_type<tc>, window_params = [{transform_indices = @transform_0, window_bounds = array<i64: 1024, 128>}, {transform_indices = @transform_1, window_bounds = array<i64: 1024, 128>}, {transform_indices = @transform_2, window_bounds = array<i64: 1024, 128>}, {pipeline_mode = #tpu.pipeline_mode<synchronous>, transform_indices = @transform_3, window_bounds = array<i64: 4, 1024>}, {transform_indices = @transform_4, window_bounds = array<i64: 1024, 128>}, {transform_indices = @transform_5, window_bounds = array<i64: 1024, 128>}, {transform_indices = @transform_6, window_bounds = array<i64: 1024, 128>}, {transform_indices = @transform_7, window_bounds = array<i64: 1024, 128>}, {transform_indices = @transform_8, window_bounds = array<i64: 1024, 128>}, {transform_indices = @transform_9, window_bounds = array<i64: 1024, 128>}, {pipeline_mode = #tpu.pipeline_mode<synchronous>, transform_indices = @transform_10, window_bounds = array<i64: 128, 256>}, {pipeline_mode = #tpu.pipeline_mode<synchronous>, transform_indices = @transform_11, window_bounds = array<i64: 128, 256>}, {pipeline_mode = #tpu.pipeline_mode<synchronous>, transform_indices = @transform_12, window_bounds = array<i64: 128, 256>}, {pipeline_mode = #tpu.pipeline_mode<synchronous>, transform_indices = @transform_13, window_bounds = array<i64: 128, 256>}, {pipeline_mode = #tpu.pipeline_mode<synchronous>, transform_indices = @transform_14, window_bounds = array<i64: 4, 256>}, {pipeline_mode = #tpu.pipeline_mode<synchronous>, transform_indices = @transform_15, window_bounds = array<i64: 1, 2>}, {transform_indices = @transform_16, window_bounds = array<i64: 1, 1>}]} {
    %get3A = arith.constant 0 : index
    %get3A_0 = arith.constant 0 : index
    %get3A_1 = vector.load %arg11[%get3A, %get3A_0] : memref<128x256xbf16, #tpu.memory_space<vmem>>, vector<128x256xbf16>
    %get3A_2 = arith.constant 0 : index
    %get3A_3 = arith.constant 0 : index
    %get3A_4 = vector.load %arg12[%get3A_2, %get3A_3] : memref<128x256xbf16, #tpu.memory_space<vmem>>, vector<128x256xbf16>
    %get3A_5 = arith.constant 0 : index
    %get3A_6 = arith.constant 0 : index
    %get3A_7 = vector.load %arg13[%get3A_5, %get3A_6] : memref<128x256xbf16, #tpu.memory_space<vmem>>, vector<128x256xbf16>
    %get3A_8 = arith.constant 0 : index
    %get3A_9 = arith.constant 0 : index
    %get3A_10 = vector.load %arg14[%get3A_8, %get3A_9] : memref<128x256xbf16, #tpu.memory_space<vmem>>, vector<128x256xbf16>
    %get3A_11 = arith.constant 0 : index
    %get3A_12 = arith.constant 0 : index
    %get3A_13 = vector.load %arg15[%get3A_11, %get3A_12] : memref<4x256xf32, #tpu.memory_space<vmem>>, vector<4x256xf32>
    %get3A_14 = arith.constant 0 : index
    %get3A_15 = arith.constant 0 : index
    %get3A_16 = vector.load %arg16[%get3A_14, %get3A_15] : memref<1x2xf32, #tpu.memory_space<vmem>>, vector<1x1xf32>
    %get3A_17 = vector.extract %get3A_16[0, 0] : f32 from vector<1x1xf32>
    %get3A_18 = arith.constant 0 : index
    %get3A_19 = arith.constant 1 : index
    %get3A_20 = vector.load %arg16[%get3A_18, %get3A_19] : memref<1x2xf32, #tpu.memory_space<vmem>>, vector<1x1xf32>
    %get3A_21 = vector.extract %get3A_20[0, 0] : f32 from vector<1x1xf32>
    %get3A_22 = arith.constant 0 : index
    %get3A_23 = arith.constant 0 : index
    %get3A_24 = vector.load %arg5[%get3A_22, %get3A_23] : memref<1024x128xf32, #tpu.memory_space<vmem>>, vector<1024x128xf32>
    %get3A_25 = arith.constant 0 : index
    %get3A_26 = arith.constant 0 : index
    %get3A_27 = vector.load %arg6[%get3A_25, %get3A_26] : memref<1024x128xf32, #tpu.memory_space<vmem>>, vector<1024x128xf32>
    %get3A_28 = arith.constant 0 : index
    %get3A_29 = arith.constant 0 : index
    %get3A_30 = vector.load %arg9[%get3A_28, %get3A_29] : memref<1024x128xf32, #tpu.memory_space<vmem>>, vector<1024x128xf32>
    %bitcast_convert_type3A = tpu.bitcast %get3A_24 : vector<1024x128xf32> -> vector<1024x128xi32>
    %shift_left3A = arith.constant 16 : i32
    %shift_left3A_31 = vector.broadcast %shift_left3A : i32 to vector<1024x128xi32>
    %shift_left3A_32 = arith.shli %bitcast_convert_type3A, %shift_left3A_31 : vector<1024x128xi32>
    %bitcast_convert_type3A_33 = tpu.bitcast %shift_left3A_32 : vector<1024x128xi32> -> vector<1024x128xf32>
    %and3A = arith.constant -65536 : i32
    %and3A_34 = vector.broadcast %and3A : i32 to vector<1024x128xi32>
    %and3A_35 = arith.andi %bitcast_convert_type3A, %and3A_34 : vector<1024x128xi32>
    %bitcast_convert_type3A_36 = tpu.bitcast %and3A_35 : vector<1024x128xi32> -> vector<1024x128xf32>
    %bitcast_convert_type3A_37 = tpu.bitcast %get3A_27 : vector<1024x128xf32> -> vector<1024x128xi32>
    %shift_left3A_38 = arith.constant 16 : i32
    %shift_left3A_39 = vector.broadcast %shift_left3A_38 : i32 to vector<1024x128xi32>
    %shift_left3A_40 = arith.shli %bitcast_convert_type3A_37, %shift_left3A_39 : vector<1024x128xi32>
    %bitcast_convert_type3A_41 = tpu.bitcast %shift_left3A_40 : vector<1024x128xi32> -> vector<1024x128xf32>
    %and3A_42 = arith.constant -65536 : i32
    %and3A_43 = vector.broadcast %and3A_42 : i32 to vector<1024x128xi32>
    %and3A_44 = arith.andi %bitcast_convert_type3A_37, %and3A_43 : vector<1024x128xi32>
    %bitcast_convert_type3A_45 = tpu.bitcast %and3A_44 : vector<1024x128xi32> -> vector<1024x128xf32>
    %bitcast_convert_type3A_46 = tpu.bitcast %get3A_30 : vector<1024x128xf32> -> vector<1024x128xi32>
    %shift_left3A_47 = arith.constant 16 : i32
    %shift_left3A_48 = vector.broadcast %shift_left3A_47 : i32 to vector<1024x128xi32>
    %shift_left3A_49 = arith.shli %bitcast_convert_type3A_46, %shift_left3A_48 : vector<1024x128xi32>
    %bitcast_convert_type3A_50 = tpu.bitcast %shift_left3A_49 : vector<1024x128xi32> -> vector<1024x128xf32>
    %and3A_51 = arith.constant -65536 : i32
    %and3A_52 = vector.broadcast %and3A_51 : i32 to vector<1024x128xi32>
    %and3A_53 = arith.andi %bitcast_convert_type3A_46, %and3A_52 : vector<1024x128xi32>
    %bitcast_convert_type3A_54 = tpu.bitcast %and3A_53 : vector<1024x128xi32> -> vector<1024x128xf32>
    %convert_element_type3A = arith.truncf %bitcast_convert_type3A_33 : vector<1024x128xf32> to vector<1024x128xbf16>
    %dot_general3A = arith.constant dense<0.000000e+00> : vector<1024x256xf32>
    %dot_general3A_55 = tpu.matmul %convert_element_type3A, %get3A_1, %dot_general3A {dimension_numbers = #tpu.dot_dimension_numbers<[1], [0], [0], [1], [0, 0, 1, 1], [], []>, transpose_lhs_hint = false} : vector<1024x128xbf16>, vector<128x256xbf16>, vector<1024x256xf32> -> vector<1024x256xf32>
    %convert_element_type3A_56 = arith.truncf %bitcast_convert_type3A_36 : vector<1024x128xf32> to vector<1024x128xbf16>
    %dot_general3A_57 = arith.constant dense<0.000000e+00> : vector<1024x256xf32>
    %dot_general3A_58 = tpu.matmul %convert_element_type3A_56, %get3A_4, %dot_general3A_57 {dimension_numbers = #tpu.dot_dimension_numbers<[1], [0], [0], [1], [0, 0, 1, 1], [], []>, transpose_lhs_hint = false} : vector<1024x128xbf16>, vector<128x256xbf16>, vector<1024x256xf32> -> vector<1024x256xf32>
    %add3A = arith.addf %dot_general3A_55, %dot_general3A_58 : vector<1024x256xf32>
    %convert_element_type3A_59 = arith.truncf %bitcast_convert_type3A_41 : vector<1024x128xf32> to vector<1024x128xbf16>
    %dot_general3A_60 = arith.constant dense<0.000000e+00> : vector<1024x256xf32>
    %dot_general3A_61 = tpu.matmul %convert_element_type3A_59, %get3A_7, %dot_general3A_60 {dimension_numbers = #tpu.dot_dimension_numbers<[1], [0], [0], [1], [0, 0, 1, 1], [], []>, transpose_lhs_hint = false} : vector<1024x128xbf16>, vector<128x256xbf16>, vector<1024x256xf32> -> vector<1024x256xf32>
    %add3A_62 = arith.addf %add3A, %dot_general3A_61 : vector<1024x256xf32>
    %convert_element_type3A_63 = arith.truncf %bitcast_convert_type3A_45 : vector<1024x128xf32> to vector<1024x128xbf16>
    %dot_general3A_64 = arith.constant dense<0.000000e+00> : vector<1024x256xf32>
    %dot_general3A_65 = tpu.matmul %convert_element_type3A_63, %get3A_10, %dot_general3A_64 {dimension_numbers = #tpu.dot_dimension_numbers<[1], [0], [0], [1], [0, 0, 1, 1], [], []>, transpose_lhs_hint = false} : vector<1024x128xbf16>, vector<128x256xbf16>, vector<1024x256xf32> -> vector<1024x256xf32>
    %add3A_66 = arith.addf %add3A_62, %dot_general3A_65 : vector<1024x256xf32>
    %tanh3A = math.tanh %add3A_66 : vector<1024x256xf32>
    %concatenate3A = tpu.concatenate %bitcast_convert_type3A_50, %bitcast_convert_type3A_54 in 1 : vector<1024x128xf32>, vector<1024x128xf32> -> vector<1024x256xf32>
    %mul3A = arith.mulf %concatenate3A, %tanh3A : vector<1024x256xf32>
    %dot_general3A_67 = arith.constant dense<0.000000e+00> : vector<4x1024xf32>
    %dot_general3A_68 = tpu.matmul %get3A_13, %mul3A, %dot_general3A_67 {dimension_numbers = #tpu.dot_dimension_numbers<[1], [1], [0], [0], [0, 0, 1, 0], [], []>, transpose_lhs_hint = false} : vector<4x256xf32>, vector<1024x256xf32>, vector<4x1024xf32> -> vector<4x1024xf32>
    %mul3A_69 = vector.broadcast %get3A_17 : f32 to vector<4x1024xf32>
    %mul3A_70 = arith.mulf %dot_general3A_68, %mul3A_69 : vector<4x1024xf32>
    %add3A_71 = vector.broadcast %get3A_21 : f32 to vector<4x1024xf32>
    %add3A_72 = arith.addf %mul3A_70, %add3A_71 : vector<4x1024xf32>
    %logistic3A = arith.negf %add3A_72 : vector<4x1024xf32>
    %logistic3A_73 = math.exp %logistic3A : vector<4x1024xf32>
    %logistic3A_74 = arith.constant 1.000000e+00 : f32
    %logistic3A_75 = vector.broadcast %logistic3A_74 : f32 to vector<4x1024xf32>
    %logistic3A_76 = arith.addf %logistic3A_75, %logistic3A_73 : vector<4x1024xf32>
    %logistic3A_77 = arith.divf %logistic3A_75, %logistic3A_76 : vector<4x1024xf32>
    %get3A_78 = arith.constant 0 : index
    %get3A_79 = arith.constant 0 : index
    %get3A_80 = vector.load %arg7[%get3A_78, %get3A_79] : memref<1024x128xf32, #tpu.memory_space<vmem>>, vector<1024x128xf32>
    %get3A_81 = arith.constant 0 : index
    %get3A_82 = arith.constant 0 : index
    %get3A_83 = vector.load %arg8[%get3A_81, %get3A_82] : memref<1024x128xf32, #tpu.memory_space<vmem>>, vector<1024x128xf32>
    %get3A_84 = arith.constant 0 : index
    %get3A_85 = arith.constant 0 : index
    %get3A_86 = vector.load %arg10[%get3A_84, %get3A_85] : memref<1024x128xf32, #tpu.memory_space<vmem>>, vector<1024x128xf32>
    %bitcast_convert_type3A_87 = tpu.bitcast %get3A_80 : vector<1024x128xf32> -> vector<1024x128xi32>
    %shift_left3A_88 = arith.constant 16 : i32
    %shift_left3A_89 = vector.broadcast %shift_left3A_88 : i32 to vector<1024x128xi32>
    %shift_left3A_90 = arith.shli %bitcast_convert_type3A_87, %shift_left3A_89 : vector<1024x128xi32>
    %bitcast_convert_type3A_91 = tpu.bitcast %shift_left3A_90 : vector<1024x128xi32> -> vector<1024x128xf32>
    %and3A_92 = arith.constant -65536 : i32
    %and3A_93 = vector.broadcast %and3A_92 : i32 to vector<1024x128xi32>
    %and3A_94 = arith.andi %bitcast_convert_type3A_87, %and3A_93 : vector<1024x128xi32>
    %bitcast_convert_type3A_95 = tpu.bitcast %and3A_94 : vector<1024x128xi32> -> vector<1024x128xf32>
    %bitcast_convert_type3A_96 = tpu.bitcast %get3A_83 : vector<1024x128xf32> -> vector<1024x128xi32>
    %shift_left3A_97 = arith.constant 16 : i32
    %shift_left3A_98 = vector.broadcast %shift_left3A_97 : i32 to vector<1024x128xi32>
    %shift_left3A_99 = arith.shli %bitcast_convert_type3A_96, %shift_left3A_98 : vector<1024x128xi32>
    %bitcast_convert_type3A_100 = tpu.bitcast %shift_left3A_99 : vector<1024x128xi32> -> vector<1024x128xf32>
    %and3A_101 = arith.constant -65536 : i32
    %and3A_102 = vector.broadcast %and3A_101 : i32 to vector<1024x128xi32>
    %and3A_103 = arith.andi %bitcast_convert_type3A_96, %and3A_102 : vector<1024x128xi32>
    %bitcast_convert_type3A_104 = tpu.bitcast %and3A_103 : vector<1024x128xi32> -> vector<1024x128xf32>
    %bitcast_convert_type3A_105 = tpu.bitcast %get3A_86 : vector<1024x128xf32> -> vector<1024x128xi32>
    %shift_left3A_106 = arith.constant 16 : i32
    %shift_left3A_107 = vector.broadcast %shift_left3A_106 : i32 to vector<1024x128xi32>
    %shift_left3A_108 = arith.shli %bitcast_convert_type3A_105, %shift_left3A_107 : vector<1024x128xi32>
    %bitcast_convert_type3A_109 = tpu.bitcast %shift_left3A_108 : vector<1024x128xi32> -> vector<1024x128xf32>
    %and3A_110 = arith.constant -65536 : i32
    %and3A_111 = vector.broadcast %and3A_110 : i32 to vector<1024x128xi32>
    %and3A_112 = arith.andi %bitcast_convert_type3A_105, %and3A_111 : vector<1024x128xi32>
    %bitcast_convert_type3A_113 = tpu.bitcast %and3A_112 : vector<1024x128xi32> -> vector<1024x128xf32>
    %convert_element_type3A_114 = arith.truncf %bitcast_convert_type3A_91 : vector<1024x128xf32> to vector<1024x128xbf16>
    %dot_general3A_115 = arith.constant dense<0.000000e+00> : vector<1024x256xf32>
    %dot_general3A_116 = tpu.matmul %convert_element_type3A_114, %get3A_1, %dot_general3A_115 {dimension_numbers = #tpu.dot_dimension_numbers<[1], [0], [0], [1], [0, 0, 1, 1], [], []>, transpose_lhs_hint = false} : vector<1024x128xbf16>, vector<128x256xbf16>, vector<1024x256xf32> -> vector<1024x256xf32>
    %convert_element_type3A_117 = arith.truncf %bitcast_convert_type3A_95 : vector<1024x128xf32> to vector<1024x128xbf16>
    %dot_general3A_118 = arith.constant dense<0.000000e+00> : vector<1024x256xf32>
    %dot_general3A_119 = tpu.matmul %convert_element_type3A_117, %get3A_4, %dot_general3A_118 {dimension_numbers = #tpu.dot_dimension_numbers<[1], [0], [0], [1], [0, 0, 1, 1], [], []>, transpose_lhs_hint = false} : vector<1024x128xbf16>, vector<128x256xbf16>, vector<1024x256xf32> -> vector<1024x256xf32>
    %add3A_120 = arith.addf %dot_general3A_116, %dot_general3A_119 : vector<1024x256xf32>
    %convert_element_type3A_121 = arith.truncf %bitcast_convert_type3A_100 : vector<1024x128xf32> to vector<1024x128xbf16>
    %dot_general3A_122 = arith.constant dense<0.000000e+00> : vector<1024x256xf32>
    %dot_general3A_123 = tpu.matmul %convert_element_type3A_121, %get3A_7, %dot_general3A_122 {dimension_numbers = #tpu.dot_dimension_numbers<[1], [0], [0], [1], [0, 0, 1, 1], [], []>, transpose_lhs_hint = false} : vector<1024x128xbf16>, vector<128x256xbf16>, vector<1024x256xf32> -> vector<1024x256xf32>
    %add3A_124 = arith.addf %add3A_120, %dot_general3A_123 : vector<1024x256xf32>
    %convert_element_type3A_125 = arith.truncf %bitcast_convert_type3A_104 : vector<1024x128xf32> to vector<1024x128xbf16>
    %dot_general3A_126 = arith.constant dense<0.000000e+00> : vector<1024x256xf32>
    %dot_general3A_127 = tpu.matmul %convert_element_type3A_125, %get3A_10, %dot_general3A_126 {dimension_numbers = #tpu.dot_dimension_numbers<[1], [0], [0], [1], [0, 0, 1, 1], [], []>, transpose_lhs_hint = false} : vector<1024x128xbf16>, vector<128x256xbf16>, vector<1024x256xf32> -> vector<1024x256xf32>
    %add3A_128 = arith.addf %add3A_124, %dot_general3A_127 : vector<1024x256xf32>
    %tanh3A_129 = math.tanh %add3A_128 : vector<1024x256xf32>
    %concatenate3A_130 = tpu.concatenate %bitcast_convert_type3A_109, %bitcast_convert_type3A_113 in 1 : vector<1024x128xf32>, vector<1024x128xf32> -> vector<1024x256xf32>
    %mul3A_131 = arith.mulf %concatenate3A_130, %tanh3A_129 : vector<1024x256xf32>
    %dot_general3A_132 = arith.constant dense<0.000000e+00> : vector<4x1024xf32>
    %dot_general3A_133 = tpu.matmul %get3A_13, %mul3A_131, %dot_general3A_132 {dimension_numbers = #tpu.dot_dimension_numbers<[1], [1], [0], [0], [0, 0, 1, 0], [], []>, transpose_lhs_hint = false} : vector<4x256xf32>, vector<1024x256xf32>, vector<4x1024xf32> -> vector<4x1024xf32>
    %mul3A_134 = vector.broadcast %get3A_17 : f32 to vector<4x1024xf32>
    %mul3A_135 = arith.mulf %dot_general3A_133, %mul3A_134 : vector<4x1024xf32>
    %add3A_136 = vector.broadcast %get3A_21 : f32 to vector<4x1024xf32>
    %add3A_137 = arith.addf %mul3A_135, %add3A_136 : vector<4x1024xf32>
    %logistic3A_138 = arith.negf %add3A_137 : vector<4x1024xf32>
    %logistic3A_139 = math.exp %logistic3A_138 : vector<4x1024xf32>
    %logistic3A_140 = arith.constant 1.000000e+00 : f32
    %logistic3A_141 = vector.broadcast %logistic3A_140 : f32 to vector<4x1024xf32>
    %logistic3A_142 = arith.addf %logistic3A_141, %logistic3A_139 : vector<4x1024xf32>
    %logistic3A_143 = arith.divf %logistic3A_141, %logistic3A_142 : vector<4x1024xf32>
    %mul3A_144 = arith.mulf %logistic3A_77, %logistic3A_77 : vector<4x1024xf32>
    %reduce_sum3A = vector.shape_cast %mul3A_144 : vector<4x1024xf32> to vector<1x4x1024xf32>
    %reduce_sum3A_145 = arith.constant dense<0.000000e+00> : vector<1xf32>
    %reduce_sum3A_146 = vector.multi_reduction <add>, %reduce_sum3A, %reduce_sum3A_145 [1, 2] : vector<1x4x1024xf32> to vector<1xf32>
    %reduce_sum3A_147 = vector.shape_cast %reduce_sum3A_146 : vector<1xf32> to vector<1x1x1xf32>
    %reduce_sum3A_148 = vector.extract %reduce_sum3A_147[0, 0, 0] : f32 from vector<1x1x1xf32>
    %mul3A_149 = arith.mulf %logistic3A_143, %logistic3A_143 : vector<4x1024xf32>
    %reduce_sum3A_150 = vector.shape_cast %mul3A_149 : vector<4x1024xf32> to vector<1x4x1024xf32>
    %reduce_sum3A_151 = arith.constant dense<0.000000e+00> : vector<1xf32>
    %reduce_sum3A_152 = vector.multi_reduction <add>, %reduce_sum3A_150, %reduce_sum3A_151 [1, 2] : vector<1x4x1024xf32> to vector<1xf32>
    %reduce_sum3A_153 = vector.shape_cast %reduce_sum3A_152 : vector<1xf32> to vector<1x1x1xf32>
    %reduce_sum3A_154 = vector.extract %reduce_sum3A_153[0, 0, 0] : f32 from vector<1x1x1xf32>
    %add3A_155 = arith.addf %reduce_sum3A_148, %reduce_sum3A_154 : f32
    %mul3A_156 = arith.constant 1.22070314E-5 : f32
    %mul3A_157 = arith.mulf %add3A_155, %mul3A_156 : f32
    %eq3A = arith.constant 0 : i32
    %eq3A_158 = arith.cmpi eq, %arg0, %eq3A : i32
    %convert_element_type3A_159 = arith.extui %eq3A_158 : i1 to i32
    %cond3A = arith.constant 0 : i32
    %cond3A_160 = arith.cmpi ne, %convert_element_type3A_159, %cond3A : i32
    scf.if %cond3A_160 {
      %get3A_167 = arith.constant 0 : index
      %get3A_168 = arith.constant 0 : index
      %get3A_169 = vector.load %arg1[%get3A_167, %get3A_168] : memref<1024x128xf32, #tpu.memory_space<vmem>>, vector<1024x128xf32>
      %get3A_170 = arith.constant 0 : index
      %get3A_171 = arith.constant 0 : index
      %get3A_172 = vector.load %arg2[%get3A_170, %get3A_171] : memref<1024x128xf32, #tpu.memory_space<vmem>>, vector<1024x128xf32>
      %get3A_173 = arith.constant 0 : index
      %get3A_174 = arith.constant 0 : index
      %get3A_175 = vector.load %arg3[%get3A_173, %get3A_174] : memref<1024x128xf32, #tpu.memory_space<vmem>>, vector<1024x128xf32>
      %bitcast_convert_type3A_176 = tpu.bitcast %get3A_169 : vector<1024x128xf32> -> vector<1024x128xi32>
      %shift_left3A_177 = arith.constant 16 : i32
      %shift_left3A_178 = vector.broadcast %shift_left3A_177 : i32 to vector<1024x128xi32>
      %shift_left3A_179 = arith.shli %bitcast_convert_type3A_176, %shift_left3A_178 : vector<1024x128xi32>
      %bitcast_convert_type3A_180 = tpu.bitcast %shift_left3A_179 : vector<1024x128xi32> -> vector<1024x128xf32>
      %and3A_181 = arith.constant -65536 : i32
      %and3A_182 = vector.broadcast %and3A_181 : i32 to vector<1024x128xi32>
      %and3A_183 = arith.andi %bitcast_convert_type3A_176, %and3A_182 : vector<1024x128xi32>
      %bitcast_convert_type3A_184 = tpu.bitcast %and3A_183 : vector<1024x128xi32> -> vector<1024x128xf32>
      %bitcast_convert_type3A_185 = tpu.bitcast %get3A_172 : vector<1024x128xf32> -> vector<1024x128xi32>
      %shift_left3A_186 = arith.constant 16 : i32
      %shift_left3A_187 = vector.broadcast %shift_left3A_186 : i32 to vector<1024x128xi32>
      %shift_left3A_188 = arith.shli %bitcast_convert_type3A_185, %shift_left3A_187 : vector<1024x128xi32>
      %bitcast_convert_type3A_189 = tpu.bitcast %shift_left3A_188 : vector<1024x128xi32> -> vector<1024x128xf32>
      %and3A_190 = arith.constant -65536 : i32
      %and3A_191 = vector.broadcast %and3A_190 : i32 to vector<1024x128xi32>
      %and3A_192 = arith.andi %bitcast_convert_type3A_185, %and3A_191 : vector<1024x128xi32>
      %bitcast_convert_type3A_193 = tpu.bitcast %and3A_192 : vector<1024x128xi32> -> vector<1024x128xf32>
      %bitcast_convert_type3A_194 = tpu.bitcast %get3A_175 : vector<1024x128xf32> -> vector<1024x128xi32>
      %shift_left3A_195 = arith.constant 16 : i32
      %shift_left3A_196 = vector.broadcast %shift_left3A_195 : i32 to vector<1024x128xi32>
      %shift_left3A_197 = arith.shli %bitcast_convert_type3A_194, %shift_left3A_196 : vector<1024x128xi32>
      %bitcast_convert_type3A_198 = tpu.bitcast %shift_left3A_197 : vector<1024x128xi32> -> vector<1024x128xf32>
      %and3A_199 = arith.constant -65536 : i32
      %and3A_200 = vector.broadcast %and3A_199 : i32 to vector<1024x128xi32>
      %and3A_201 = arith.andi %bitcast_convert_type3A_194, %and3A_200 : vector<1024x128xi32>
      %bitcast_convert_type3A_202 = tpu.bitcast %and3A_201 : vector<1024x128xi32> -> vector<1024x128xf32>
      %convert_element_type3A_203 = arith.truncf %bitcast_convert_type3A_180 : vector<1024x128xf32> to vector<1024x128xbf16>
      %dot_general3A_204 = arith.constant dense<0.000000e+00> : vector<1024x256xf32>
      %dot_general3A_205 = tpu.matmul %convert_element_type3A_203, %get3A_1, %dot_general3A_204 {dimension_numbers = #tpu.dot_dimension_numbers<[1], [0], [0], [1], [0, 0, 1, 1], [], []>, transpose_lhs_hint = false} : vector<1024x128xbf16>, vector<128x256xbf16>, vector<1024x256xf32> -> vector<1024x256xf32>
      %convert_element_type3A_206 = arith.truncf %bitcast_convert_type3A_184 : vector<1024x128xf32> to vector<1024x128xbf16>
      %dot_general3A_207 = arith.constant dense<0.000000e+00> : vector<1024x256xf32>
      %dot_general3A_208 = tpu.matmul %convert_element_type3A_206, %get3A_4, %dot_general3A_207 {dimension_numbers = #tpu.dot_dimension_numbers<[1], [0], [0], [1], [0, 0, 1, 1], [], []>, transpose_lhs_hint = false} : vector<1024x128xbf16>, vector<128x256xbf16>, vector<1024x256xf32> -> vector<1024x256xf32>
      %add3A_209 = arith.addf %dot_general3A_205, %dot_general3A_208 : vector<1024x256xf32>
      %convert_element_type3A_210 = arith.truncf %bitcast_convert_type3A_189 : vector<1024x128xf32> to vector<1024x128xbf16>
      %dot_general3A_211 = arith.constant dense<0.000000e+00> : vector<1024x256xf32>
      %dot_general3A_212 = tpu.matmul %convert_element_type3A_210, %get3A_7, %dot_general3A_211 {dimension_numbers = #tpu.dot_dimension_numbers<[1], [0], [0], [1], [0, 0, 1, 1], [], []>, transpose_lhs_hint = false} : vector<1024x128xbf16>, vector<128x256xbf16>, vector<1024x256xf32> -> vector<1024x256xf32>
      %add3A_213 = arith.addf %add3A_209, %dot_general3A_212 : vector<1024x256xf32>
      %convert_element_type3A_214 = arith.truncf %bitcast_convert_type3A_193 : vector<1024x128xf32> to vector<1024x128xbf16>
      %dot_general3A_215 = arith.constant dense<0.000000e+00> : vector<1024x256xf32>
      %dot_general3A_216 = tpu.matmul %convert_element_type3A_214, %get3A_10, %dot_general3A_215 {dimension_numbers = #tpu.dot_dimension_numbers<[1], [0], [0], [1], [0, 0, 1, 1], [], []>, transpose_lhs_hint = false} : vector<1024x128xbf16>, vector<128x256xbf16>, vector<1024x256xf32> -> vector<1024x256xf32>
      %add3A_217 = arith.addf %add3A_213, %dot_general3A_216 : vector<1024x256xf32>
      %tanh3A_218 = math.tanh %add3A_217 : vector<1024x256xf32>
      %concatenate3A_219 = tpu.concatenate %bitcast_convert_type3A_198, %bitcast_convert_type3A_202 in 1 : vector<1024x128xf32>, vector<1024x128xf32> -> vector<1024x256xf32>
      %mul3A_220 = arith.mulf %concatenate3A_219, %tanh3A_218 : vector<1024x256xf32>
      %dot_general3A_221 = arith.constant dense<0.000000e+00> : vector<4x1024xf32>
      %dot_general3A_222 = tpu.matmul %get3A_13, %mul3A_220, %dot_general3A_221 {dimension_numbers = #tpu.dot_dimension_numbers<[1], [1], [0], [0], [0, 0, 1, 0], [], []>, transpose_lhs_hint = false} : vector<4x256xf32>, vector<1024x256xf32>, vector<4x1024xf32> -> vector<4x1024xf32>
      %mul3A_223 = vector.broadcast %get3A_17 : f32 to vector<4x1024xf32>
      %mul3A_224 = arith.mulf %dot_general3A_222, %mul3A_223 : vector<4x1024xf32>
      %add3A_225 = vector.broadcast %get3A_21 : f32 to vector<4x1024xf32>
      %add3A_226 = arith.addf %mul3A_224, %add3A_225 : vector<4x1024xf32>
      %logistic3A_227 = arith.negf %add3A_226 : vector<4x1024xf32>
      %logistic3A_228 = math.exp %logistic3A_227 : vector<4x1024xf32>
      %logistic3A_229 = arith.constant 1.000000e+00 : f32
      %logistic3A_230 = vector.broadcast %logistic3A_229 : f32 to vector<4x1024xf32>
      %logistic3A_231 = arith.addf %logistic3A_230, %logistic3A_228 : vector<4x1024xf32>
      %logistic3A_232 = arith.divf %logistic3A_230, %logistic3A_231 : vector<4x1024xf32>
      %get3A_233 = arith.constant 0 : index
      %get3A_234 = arith.constant 0 : index
      %get3A_235 = vector.load %arg4[%get3A_233, %get3A_234] : memref<4x1024xf32, #tpu.memory_space<vmem>>, vector<4x1024xf32>
      %sub3A = arith.subf %logistic3A_232, %get3A_235 : vector<4x1024xf32>
      %mul3A_236 = arith.mulf %sub3A, %sub3A : vector<4x1024xf32>
      %reduce_sum3A_237 = vector.shape_cast %mul3A_236 : vector<4x1024xf32> to vector<1x4x1024xf32>
      %reduce_sum3A_238 = arith.constant dense<0.000000e+00> : vector<1xf32>
      %reduce_sum3A_239 = vector.multi_reduction <add>, %reduce_sum3A_237, %reduce_sum3A_238 [1, 2] : vector<1x4x1024xf32> to vector<1xf32>
      %reduce_sum3A_240 = vector.shape_cast %reduce_sum3A_239 : vector<1xf32> to vector<1x1x1xf32>
      %reduce_sum3A_241 = vector.extract %reduce_sum3A_240[0, 0, 0] : f32 from vector<1x1x1xf32>
      %mul3A_242 = arith.constant 2.44140625E-4 : f32
      %mul3A_243 = arith.mulf %reduce_sum3A_241, %mul3A_242 : f32
      %get3A_244 = arith.constant 0 : index
      %get3A_245 = arith.constant 0 : index
      %get3A_246 = vector.load %arg1[%get3A_244, %get3A_245] : memref<1024x128xf32, #tpu.memory_space<vmem>>, vector<1024x128xf32>
      %bitcast_convert_type3A_247 = tpu.bitcast %get3A_246 : vector<1024x128xf32> -> vector<1024x128xi32>
      %shift_left3A_248 = arith.constant 16 : i32
      %shift_left3A_249 = vector.broadcast %shift_left3A_248 : i32 to vector<1024x128xi32>
      %shift_left3A_250 = arith.shli %bitcast_convert_type3A_247, %shift_left3A_249 : vector<1024x128xi32>
      %bitcast_convert_type3A_251 = tpu.bitcast %shift_left3A_250 : vector<1024x128xi32> -> vector<1024x128xf32>
      %and3A_252 = arith.constant -65536 : i32
      %and3A_253 = vector.broadcast %and3A_252 : i32 to vector<1024x128xi32>
      %and3A_254 = arith.andi %bitcast_convert_type3A_247, %and3A_253 : vector<1024x128xi32>
      %bitcast_convert_type3A_255 = tpu.bitcast %and3A_254 : vector<1024x128xi32> -> vector<1024x128xf32>
      %get3A_256 = arith.constant 0 : index
      %get3A_257 = arith.constant 0 : index
      %get3A_258 = vector.load %arg2[%get3A_256, %get3A_257] : memref<1024x128xf32, #tpu.memory_space<vmem>>, vector<1024x128xf32>
      %bitcast_convert_type3A_259 = tpu.bitcast %get3A_258 : vector<1024x128xf32> -> vector<1024x128xi32>
      %shift_left3A_260 = arith.constant 16 : i32
      %shift_left3A_261 = vector.broadcast %shift_left3A_260 : i32 to vector<1024x128xi32>
      %shift_left3A_262 = arith.shli %bitcast_convert_type3A_259, %shift_left3A_261 : vector<1024x128xi32>
      %bitcast_convert_type3A_263 = tpu.bitcast %shift_left3A_262 : vector<1024x128xi32> -> vector<1024x128xf32>
      %and3A_264 = arith.constant -65536 : i32
      %and3A_265 = vector.broadcast %and3A_264 : i32 to vector<1024x128xi32>
      %and3A_266 = arith.andi %bitcast_convert_type3A_259, %and3A_265 : vector<1024x128xi32>
      %bitcast_convert_type3A_267 = tpu.bitcast %and3A_266 : vector<1024x128xi32> -> vector<1024x128xf32>
      %get3A_268 = arith.constant 0 : index
      %get3A_269 = arith.constant 0 : index
      %get3A_270 = vector.load %arg3[%get3A_268, %get3A_269] : memref<1024x128xf32, #tpu.memory_space<vmem>>, vector<1024x128xf32>
      %bitcast_convert_type3A_271 = tpu.bitcast %get3A_270 : vector<1024x128xf32> -> vector<1024x128xi32>
      %shift_left3A_272 = arith.constant 16 : i32
      %shift_left3A_273 = vector.broadcast %shift_left3A_272 : i32 to vector<1024x128xi32>
      %shift_left3A_274 = arith.shli %bitcast_convert_type3A_271, %shift_left3A_273 : vector<1024x128xi32>
      %bitcast_convert_type3A_275 = tpu.bitcast %shift_left3A_274 : vector<1024x128xi32> -> vector<1024x128xf32>
      %and3A_276 = arith.constant -65536 : i32
      %and3A_277 = vector.broadcast %and3A_276 : i32 to vector<1024x128xi32>
      %and3A_278 = arith.andi %bitcast_convert_type3A_271, %and3A_277 : vector<1024x128xi32>
      %bitcast_convert_type3A_279 = tpu.bitcast %and3A_278 : vector<1024x128xi32> -> vector<1024x128xf32>
      %mul3A_280 = arith.mulf %bitcast_convert_type3A_251, %bitcast_convert_type3A_251 : vector<1024x128xf32>
      %reduce_sum3A_281 = vector.shape_cast %mul3A_280 : vector<1024x128xf32> to vector<1x1024x128xf32>
      %reduce_sum3A_282 = arith.constant dense<0.000000e+00> : vector<1xf32>
      %reduce_sum3A_283 = vector.multi_reduction <add>, %reduce_sum3A_281, %reduce_sum3A_282 [1, 2] : vector<1x1024x128xf32> to vector<1xf32>
      %reduce_sum3A_284 = vector.shape_cast %reduce_sum3A_283 : vector<1xf32> to vector<1x1x1xf32>
      %reduce_sum3A_285 = vector.extract %reduce_sum3A_284[0, 0, 0] : f32 from vector<1x1x1xf32>
      %mul3A_286 = arith.mulf %bitcast_convert_type3A_255, %bitcast_convert_type3A_255 : vector<1024x128xf32>
      %reduce_sum3A_287 = vector.shape_cast %mul3A_286 : vector<1024x128xf32> to vector<1x1024x128xf32>
      %reduce_sum3A_288 = arith.constant dense<0.000000e+00> : vector<1xf32>
      %reduce_sum3A_289 = vector.multi_reduction <add>, %reduce_sum3A_287, %reduce_sum3A_288 [1, 2] : vector<1x1024x128xf32> to vector<1xf32>
      %reduce_sum3A_290 = vector.shape_cast %reduce_sum3A_289 : vector<1xf32> to vector<1x1x1xf32>
      %reduce_sum3A_291 = vector.extract %reduce_sum3A_290[0, 0, 0] : f32 from vector<1x1x1xf32>
      %add3A_292 = arith.addf %reduce_sum3A_285, %reduce_sum3A_291 : f32
      %mul3A_293 = arith.mulf %bitcast_convert_type3A_263, %bitcast_convert_type3A_263 : vector<1024x128xf32>
      %reduce_sum3A_294 = vector.shape_cast %mul3A_293 : vector<1024x128xf32> to vector<1x1024x128xf32>
      %reduce_sum3A_295 = arith.constant dense<0.000000e+00> : vector<1xf32>
      %reduce_sum3A_296 = vector.multi_reduction <add>, %reduce_sum3A_294, %reduce_sum3A_295 [1, 2] : vector<1x1024x128xf32> to vector<1xf32>
      %reduce_sum3A_297 = vector.shape_cast %reduce_sum3A_296 : vector<1xf32> to vector<1x1x1xf32>
      %reduce_sum3A_298 = vector.extract %reduce_sum3A_297[0, 0, 0] : f32 from vector<1x1x1xf32>
      %add3A_299 = arith.addf %add3A_292, %reduce_sum3A_298 : f32
      %mul3A_300 = arith.mulf %bitcast_convert_type3A_267, %bitcast_convert_type3A_267 : vector<1024x128xf32>
      %reduce_sum3A_301 = vector.shape_cast %mul3A_300 : vector<1024x128xf32> to vector<1x1024x128xf32>
      %reduce_sum3A_302 = arith.constant dense<0.000000e+00> : vector<1xf32>
      %reduce_sum3A_303 = vector.multi_reduction <add>, %reduce_sum3A_301, %reduce_sum3A_302 [1, 2] : vector<1x1024x128xf32> to vector<1xf32>
      %reduce_sum3A_304 = vector.shape_cast %reduce_sum3A_303 : vector<1xf32> to vector<1x1x1xf32>
      %reduce_sum3A_305 = vector.extract %reduce_sum3A_304[0, 0, 0] : f32 from vector<1x1x1xf32>
      %add3A_306 = arith.addf %add3A_299, %reduce_sum3A_305 : f32
      %mul3A_307 = arith.mulf %bitcast_convert_type3A_275, %bitcast_convert_type3A_275 : vector<1024x128xf32>
      %reduce_sum3A_308 = vector.shape_cast %mul3A_307 : vector<1024x128xf32> to vector<1x1024x128xf32>
      %reduce_sum3A_309 = arith.constant dense<0.000000e+00> : vector<1xf32>
      %reduce_sum3A_310 = vector.multi_reduction <add>, %reduce_sum3A_308, %reduce_sum3A_309 [1, 2] : vector<1x1024x128xf32> to vector<1xf32>
      %reduce_sum3A_311 = vector.shape_cast %reduce_sum3A_310 : vector<1xf32> to vector<1x1x1xf32>
      %reduce_sum3A_312 = vector.extract %reduce_sum3A_311[0, 0, 0] : f32 from vector<1x1x1xf32>
      %add3A_313 = arith.addf %add3A_306, %reduce_sum3A_312 : f32
      %mul3A_314 = arith.mulf %bitcast_convert_type3A_279, %bitcast_convert_type3A_279 : vector<1024x128xf32>
      %reduce_sum3A_315 = vector.shape_cast %mul3A_314 : vector<1024x128xf32> to vector<1x1024x128xf32>
      %reduce_sum3A_316 = arith.constant dense<0.000000e+00> : vector<1xf32>
      %reduce_sum3A_317 = vector.multi_reduction <add>, %reduce_sum3A_315, %reduce_sum3A_316 [1, 2] : vector<1x1024x128xf32> to vector<1xf32>
      %reduce_sum3A_318 = vector.shape_cast %reduce_sum3A_317 : vector<1xf32> to vector<1x1x1xf32>
      %reduce_sum3A_319 = vector.extract %reduce_sum3A_318[0, 0, 0] : f32 from vector<1x1x1xf32>
      %add3A_320 = arith.addf %add3A_313, %reduce_sum3A_319 : f32
      %mul3A_321 = arith.constant 1.22070309E-8 : f32
      %mul3A_322 = arith.mulf %add3A_320, %mul3A_321 : f32
      %add3A_323 = arith.addf %mul3A_243, %mul3A_322 : f32
      %swap3A_324 = arith.constant 0 : index
      %swap3A_325 = arith.constant 0 : index
      %swap3A_326 = memref.load %arg17[%swap3A_324, %swap3A_325] : memref<1x1xf32, #tpu.memory_space<smem>>
      memref.store %add3A_323, %arg17[%swap3A_324, %swap3A_325] : memref<1x1xf32, #tpu.memory_space<smem>>
    } else {
    }
    %get3A_161 = arith.constant 0 : index
    %get3A_162 = arith.constant 0 : index
    %get3A_163 = memref.load %arg17[%get3A_161, %get3A_162] : memref<1x1xf32, #tpu.memory_space<smem>>
    %add3A_164 = arith.addf %get3A_163, %mul3A_157 : f32
    %swap3A = arith.constant 0 : index
    %swap3A_165 = arith.constant 0 : index
    %swap3A_166 = memref.load %arg17[%swap3A, %swap3A_165] : memref<1x1xf32, #tpu.memory_space<smem>>
    memref.store %add3A_164, %arg17[%swap3A, %swap3A_165] : memref<1x1xf32, #tpu.memory_space<smem>>
    return
  }
  func.func @transform_0(%arg0: i32) -> (i32, i32) {
    %c0_i32 = arith.constant 0 : i32
    %c0_i32_0 = arith.constant 0 : i32
    %c0_i32_1 = arith.constant 0 : i32
    return %c0_i32, %c0_i32_0 : i32, i32
  }
  func.func @transform_1(%arg0: i32) -> (i32, i32) {
    %c1_i32 = arith.constant 1 : i32
    %c0_i32 = arith.constant 0 : i32
    %c0_i32_0 = arith.constant 0 : i32
    return %c1_i32, %c0_i32 : i32, i32
  }
  func.func @transform_2(%arg0: i32) -> (i32, i32) {
    %c0_i32 = arith.constant 0 : i32
    %c0_i32_0 = arith.constant 0 : i32
    %c0_i32_1 = arith.constant 0 : i32
    return %c0_i32, %c0_i32_0 : i32, i32
  }
  func.func @transform_3(%arg0: i32) -> (i32, i32) {
    %c0_i32 = arith.constant 0 : i32
    %c0_i32_0 = arith.constant 0 : i32
    %c0_i32_1 = arith.constant 0 : i32
    return %c0_i32, %c0_i32_0 : i32, i32
  }
  func.func @transform_4(%arg0: i32) -> (i32, i32) {
    %add3A = arith.constant 2 : i32
    %add3A_0 = arith.addi %add3A, %arg0 : i32
    %c0_i32 = arith.constant 0 : i32
    %c0_i32_1 = arith.constant 0 : i32
    return %add3A_0, %c0_i32 : i32, i32
  }
  func.func @transform_5(%arg0: i32) -> (i32, i32) {
    %add3A = arith.constant 12 : i32
    %add3A_0 = arith.addi %add3A, %arg0 : i32
    %c0_i32 = arith.constant 0 : i32
    %c0_i32_1 = arith.constant 0 : i32
    return %add3A_0, %c0_i32 : i32, i32
  }
  func.func @transform_6(%arg0: i32) -> (i32, i32) {
    %add3A = arith.constant 22 : i32
    %add3A_0 = arith.addi %add3A, %arg0 : i32
    %c0_i32 = arith.constant 0 : i32
    %c0_i32_1 = arith.constant 0 : i32
    return %add3A_0, %c0_i32 : i32, i32
  }
  func.func @transform_7(%arg0: i32) -> (i32, i32) {
    %add3A = arith.constant 32 : i32
    %add3A_0 = arith.addi %add3A, %arg0 : i32
    %c0_i32 = arith.constant 0 : i32
    %c0_i32_1 = arith.constant 0 : i32
    return %add3A_0, %c0_i32 : i32, i32
  }
  func.func @transform_8(%arg0: i32) -> (i32, i32) {
    %add3A = arith.constant 1 : i32
    %add3A_0 = arith.addi %add3A, %arg0 : i32
    %c0_i32 = arith.constant 0 : i32
    %c0_i32_1 = arith.constant 0 : i32
    return %add3A_0, %c0_i32 : i32, i32
  }
  func.func @transform_9(%arg0: i32) -> (i32, i32) {
    %add3A = arith.constant 11 : i32
    %add3A_0 = arith.addi %add3A, %arg0 : i32
    %c0_i32 = arith.constant 0 : i32
    %c0_i32_1 = arith.constant 0 : i32
    return %add3A_0, %c0_i32 : i32, i32
  }
  func.func @transform_10(%arg0: i32) -> (i32, i32) {
    %c0_i32 = arith.constant 0 : i32
    %c0_i32_0 = arith.constant 0 : i32
    %c0_i32_1 = arith.constant 0 : i32
    return %c0_i32, %c0_i32_0 : i32, i32
  }
  func.func @transform_11(%arg0: i32) -> (i32, i32) {
    %c0_i32 = arith.constant 0 : i32
    %c0_i32_0 = arith.constant 0 : i32
    %c0_i32_1 = arith.constant 0 : i32
    return %c0_i32, %c0_i32_0 : i32, i32
  }
  func.func @transform_12(%arg0: i32) -> (i32, i32) {
    %c0_i32 = arith.constant 0 : i32
    %c0_i32_0 = arith.constant 0 : i32
    %c0_i32_1 = arith.constant 0 : i32
    return %c0_i32, %c0_i32_0 : i32, i32
  }
  func.func @transform_13(%arg0: i32) -> (i32, i32) {
    %c0_i32 = arith.constant 0 : i32
    %c0_i32_0 = arith.constant 0 : i32
    %c0_i32_1 = arith.constant 0 : i32
    return %c0_i32, %c0_i32_0 : i32, i32
  }
  func.func @transform_14(%arg0: i32) -> (i32, i32) {
    %c0_i32 = arith.constant 0 : i32
    %c0_i32_0 = arith.constant 0 : i32
    %c0_i32_1 = arith.constant 0 : i32
    return %c0_i32, %c0_i32_0 : i32, i32
  }
  func.func @transform_15(%arg0: i32) -> (i32, i32) {
    %c0_i32 = arith.constant 0 : i32
    %c0_i32_0 = arith.constant 0 : i32
    %c0_i32_1 = arith.constant 0 : i32
    return %c0_i32, %c0_i32_0 : i32, i32
  }
  func.func @transform_16(%arg0: i32) -> (i32, i32) {
    %c0_i32 = arith.constant 0 : i32
    %c0_i32_0 = arith.constant 0 : i32
    %c0_i32_1 = arith.constant 0 : i32
    return %c0_i32, %c0_i32_0 : i32, i32
  }
}

</mosaic_0001>

<sc_bundles>
// kernel: kernel.6.cloned.1.call-start
scs
__scs_entry_jumppad:
0x0: {  	(pc) =	sbr.rel $0x88, $3  }
0x1: {  	(tag) =	ssettag $0x0;
	lr =	simm.s32 $0x1  }
0x2: {  	[smem:$0x3F91] =	sst lr;
	_ =	strace $0xD0000000  }
0x3: {  	_ = 	snop  }
0x4: {  	_ = 	snop  }
0x5: {  	_ = 	snop  }
0x6: {  	_ = 	snop  }
0x7: {  	_ = 	snop  }
__scs_overlays_trampoline_lowered:
0x8: {  	[smem:$0x3FA0] =	sst s0  }
0x9: {  	[smem:$0x3FA1] =	sst s1  }
0xa: {  	[smem:$0x3FA2] =	sst s2  }
0xb: {  	[smem:$0x3FA3] =	sst s3  }
0xc: {  	[smem:$0x3FA4] =	sst s4  }
0xd: {  	[smem:$0x3FA5] =	sst s5  }
0xe: {  	[smem:$0x3FA6] =	sst s6  }
0xf: {  	[smem:$0x3FA7] =	sst s7  }
0x10: {  	[smem:$0x3FA8] =	sst s8  }
0x11: {  	[smem:$0x3FA9] =	sst s9;
	s0 =	simm.s32 @!p0 $0x0  }
0x12: {  	s1 =	sld [smem:$0x3F8F];
	s0 =	simm.s32 @p0 $0x1  }
0x13: {  	[smem:$0x3FAA] =	sst s0;
	s0 =	simm.s32 @!p1 $0x0  }
0x14: {  	s2 =	sld [smem:$0x3F8E];
	s0 =	simm.s32 @p1 $0x1  }
0x15: {  	[smem:$0x3FAB] =	sst s0;
	s0 =	simm.s32 @!p2 $0x0  }
0x16: {  	s3 =	sld [smem:$0x3FDB];
	s0 =	simm.s32 @p2 $0x1  }
0x17: {  	s4 =	simm.s32 $0x1BF5;
	[smem:$0x3FAD] =	sst s0  }
0x18: {  	s0 =	sld [smem:$0x3F90];
	_ =	swait.ge [sflag:s4], $0x0  }
0x19: {  	s7 =	sld [smem:$0x3F91]  }
0x1a: {  	s8 =	sadd.s32 $0xFFFFE003, lr  }
0x1b: {  	s9 =	sadd.s32 $0xFFFFFEF7, lr;
	s5 =	simm.s32 $0xFFFFFFFF;
	p2 =	slt.u32 s8, $0xFFFFF086  }
0x1c: {  	p1 =	slt.u32 s9, $0xF7A;
	s5 =	simm.s32 @!p2 $0x0  }
0x1d: {  	s5 =	simm.s32 @p1 $0x1;
	p0 =	seq.s32 s7, s2  }
0x1e: {  	s7 =	smul.u32 @!p0 $0xF7A, s2;
	p2 =	seq.s32 @!p0 s5, $0x0  }
0x1f: {  	s9 =	smul.u32 $0xF7A, s1;
	s8 =	simm.s32 @!p0 $0x1BF5;
	p2 =	por !p2, p0  }
0x20: {  	[sflag:s8] =	ssyncset.s32 @!p0 $0xFFFFF086;
	s6 =	sadd.s32 @!p0 s3, s7;
	s7 =	simm.s32 @!p0 $0x108  }
0x21: {  	s3 =	sadd.s32 s3, s9;
	s6 =	sadd.s32 @!p0 $0x88, s6;
	s7 =	simm.s32 @p2 $0x1082  }
0x22: {  	[simem:s7], [sflag:s8] =	dma.local @!p0 [hbm:s6], $0xF7A  }
0x23: {  	s9 =	sor.u32 $0xD0000000, s2;
	s6 =	simm.s32 $0x108;
	_ =	swait.ge @!p0 [sflag:s8], $0x0  }
0x24: {  	s3 =	sadd.s32 $0x88, s3;
	s6 =	simm.s32 @!p1 $0x1082;
	[sflag:s4] =	ssyncset.s32 $0xFFFFF086  }
0x25: {  	[simem:s6], [sflag:s4] =	dma.local [hbm:s3], $0xF7A  }
0x26: {  	[smem:$0x3F91] =	sst s1;
	(tag) =	ssettag s2;
	_ =	strace s9  }
0x27: {  	s1 =	sld [smem:$0x3FA1]  }
0x28: {  	s2 =	sld [smem:$0x3FA2]  }
0x29: {  	s4 =	sld [smem:$0x3FA4]  }
0x2a: {  	p0 =	seq.s32 s5, $0x0;
	s5 =	sld [smem:$0x3FA5]  }
0x2b: {  	s6 =	sld [smem:$0x3FA6]  }
0x2c: {  	s7 =	sld [smem:$0x3FA7]  }
0x2d: {  	s3 =	simm.s32 $0x108;
	s8 =	sld [smem:$0x3FA8]  }
0x2e: {  	s3 =	simm.s32 @!p0 $0x1082;
	s9 =	sld [smem:$0x3FA9]  }
0x2f: {  	lr =	sadd.s32 s0, s3;
	s0 =	sld [smem:$0x3FA0]  }
0x30: {  	s3 =	sld [smem:$0x3FA3]  }
0x31: {  	[smem:$0x3FAC] =	sst s10  }
0x32: {  	s10 =	sld [smem:$0x3FAA];
	_ =	sdelay $0x3  }
0x33: {  	p0 =	seq.s32 s10, $0x1;
	s10 =	sld [smem:$0x3FAC];
	_ =	sdelay $0x3  }
0x34: {  	[smem:$0x3FAC] =	sst s10  }
0x35: {  	s10 =	sld [smem:$0x3FAB];
	_ =	sdelay $0x3  }
0x36: {  	p1 =	seq.s32 s10, $0x1;
	s10 =	sld [smem:$0x3FAC];
	_ =	sdelay $0x3  }
0x37: {  	[smem:$0x3FAC] =	sst s10  }
0x38: {  	s10 =	sld [smem:$0x3FAD]  }
0x39: {  	_ = 	snop;
	(pc) =	sbr.ind lr, $3  }
0x3a: {  	_ = 	snop  }
0x3b: {  	_ = 	snop  }
0x3c: {  	p2 =	seq.s32 s10, $0x1;
	s10 =	sld [smem:$0x3FAC]  }
0x3d: {  	_ =	shalt  }
0x3e: {  	_ =	shalt  }
0x3f: {  	_ =	shalt  }
0x40: {  	_ =	shalt  }
0x41: {  	_ =	shalt  }
0x42: {  	_ =	shalt  }
0x43: {  	_ =	shalt  }
0x44: {  	_ =	shalt  }
0x45: {  	_ =	shalt  }
0x46: {  	_ =	shalt  }
0x47: {  	_ =	shalt  }
0x48: {  	_ =	shalt  }
0x49: {  	_ =	shalt  }
0x4a: {  	_ =	shalt  }
0x4b: {  	_ =	shalt  }
0x4c: {  	_ =	shalt  }
0x4d: {  	_ =	shalt  }
0x4e: {  	_ =	shalt  }
0x4f: {  	_ =	shalt  }
0x50: {  	_ =	shalt  }
0x51: {  	_ =	shalt  }
0x52: {  	_ =	shalt  }
0x53: {  	_ =	shalt  }
0x54: {  	_ =	shalt  }
0x55: {  	_ =	shalt  }
0x56: {  	_ =	shalt  }
0x57: {  	_ =	shalt  }
0x58: {  	_ =	shalt  }
0x59: {  	_ =	shalt  }
0x5a: {  	_ =	shalt  }
0x5b: {  	_ =	shalt  }
0x5c: {  	_ =	shalt  }
0x5d: {  	_ =	shalt  }
0x5e: {  	_ =	shalt  }
0x5f: {  	_ =	shalt  }
0x60: {  	_ =	shalt  }
0x61: {  	_ =	shalt  }
0x62: {  	_ =	shalt  }
0x63: {  	_ =	shalt  }
0x64: {  	_ =	shalt  }
0x65: {  	_ =	shalt  }
0x66: {  	_ =	shalt  }
0x67: {  	_ =	shalt  }
0x68: {  	_ =	shalt  }
0x69: {  	_ =	shalt  }
0x6a: {  	_ =	shalt  }
0x6b: {  	_ =	shalt  }
0x6c: {  	_ =	shalt  }
0x6d: {  	_ =	shalt  }
0x6e: {  	_ =	shalt  }
0x6f: {  	_ =	shalt  }
0x70: {  	_ =	shalt  }
0x71: {  	_ =	shalt  }
0x72: {  	_ =	shalt  }
0x73: {  	_ =	shalt  }
0x74: {  	_ =	shalt  }
0x75: {  	_ =	shalt  }
0x76: {  	_ =	shalt  }
0x77: {  	_ =	shalt  }
0x78: {  	_ =	shalt  }
0x79: {  	_ =	shalt  }
0x7a: {  	_ =	shalt  }
0x7b: {  	_ =	shalt  }
0x7c: {  	_ =	shalt  }
0x7d: {  	_ =	shalt  }
0x7e: {  	_ =	shalt  }
0x7f: {  	_ =	shalt  }
0x80: {  	_ =	shalt  }
0x81: {  	_ =	shalt  }
0x82: {  	_ =	shalt  }
0x83: {  	_ =	shalt  }
0x84: {  	_ =	shalt  }
0x85: {  	_ =	shalt  }
0x86: {  	_ =	shalt  }
0x87: {  	_ =	shalt  }
.Lfunc_end0:
.L_simem_size_0:
called_computation_lowered:
.L_overlay_start_0:
0x88: {  	s2 =	sld [smem:$0x3FD9]  }
0x89: {  	s3 =	sld [smem:$0x3FFE];
	_ =	sdelay $0x1  }
0x8a: {  	s1 =	srdreg.scid  }
0x8b: {  	s0 =	sand.u32 $0x1, s1  }
0x8c: {  	s16 =	sshll.u32 s0, $0xA;
	s2 =	sadd.s32 s3, s2  }
0x8d: {  	s2 =	sadd.s32 s2, s16  }
0x8e: {  	[smem:$0x3FB8] =	sst s2  }
0x8f: {  	_ = 	snop  }
0x90: {  	(tm) =	ssettm $0x1  }
0x91: {  	s17 =	sld [smem:$0x3FFB];
	_ =	sdelay $0x3  }
0x92: {  	_ =	strace s17  }
0x93: {  	s2 =	sld [smem:$0x3FFC];
	_ =	sdelay $0x3  }
0x94: {  	_ =	strace s2  }
0x95: {  	s2 =	sld [smem:$0x3FFD];
	_ =	sdelay $0x3  }
0x96: {  	_ =	strace s2  }
0x97: {  	_ =	strace $0x8FFFFFFF  }
0x98: {  	s18 =	sld [smem:$0x3FDB];
	_ =	sdelay $0x1  }
0x99: {  	s19 =	simm.s32 $_scs_section_size  }
0x9a: {  	s4 =	simm.s32 $_size__tile_overlayer_lowered;
	s5 =	simm.s32 $_tile_overlayer_lowered  }
0x9b: {  	s22 =	simm.s32 $0x1BFF;
	s21 =	sshll.u32 s5, $0x1;
	s2 =	sadd.s32 s19, s18  }
0x9c: {  	s6 =	simm.s32 $0x0;
	s20 =	sshll.u32 s4, $0x1;
	s4 =	sadd.s32 s21, s2  }
0x9d: {  	[timem:s6], [sflag:s22] =	dma.local [hbm:s4], s20  }
0x9e: {  	_ =	swait.ge [sflag:s22], s20  }
0x9f: {  	s3 =	ssub.s32 $0x0, s20;
	[sflag:s22] =	ssyncset.done $0x0  }
0xa0: {  	[sflag:s22] =	ssyncadd.s32 s3;
	_ =	sdelay $0x1  }
0xa1: {  	s23 =	simm.s32 $0x1B8B  }
0xa2: {  	_ =	swait.ge [sflag:s23], $0x1  }
0xa3: {  	[sflag:s23] =	ssyncset.done $0x0  }
0xa4: {  	s25 =	simm.s32 $0x1B8E;
	s24 =	sld [smem:$0x3FFE];
	[sflag:s23] =	ssyncadd.s32 $0xFFFFFFFF  }
0xa5: {  	s26 =	simm.s32 $execute0_lowered;
	[smem:$0x3FD2] =	sst s25  }
0xa6: {  	s4 =	sshll.u32 s26, $0x1;
	_ =	strace $0x80000046;
	[dreg:$0x1] =	wrdreg $0xFFFFFFFF  }
0xa7: {  	s28 =	simm.s32 $_size_execute0_lowered;
	s2 =	sadd.s32 s2, s4;
	[dreg:$0x0] =	wrdreg $0x0  }
0xa8: {  	s4 =	sshll.u32 s28, $0x1;
	[dreg:$0x2] =	wrdreg s2  }
0xa9: {  	[dreg:$0x3] =	wrdreg s4  }
0xaa: {  	[dreg:$0x4] =	wrdreg $0xC0  }
0xab: {  	_ =	task [dreg:s6], $0x5FFFF  }
0xac: {  	[dreg:$0x1] =	wrdreg $0xFFFFFFFF  }
0xad: {  	[dreg:$0x0] =	wrdreg $0x60  }
0xae: {  	[dreg:$0x2] =	wrdreg s24  }
0xaf: {  	[dreg:$0x3] =	wrdreg $0x9  }
0xb0: {  	_ =	task.clear_ibuf [dreg:s6], $0x4FFFF;
	_ =	strace $0x90000046  }
0xb1: {  	s29 =	simm.s32 $0x9;
	_ =	strace $0x80000048  }
0xb2: {  	_ =	swait.ge [sflag:s29], $0x1  }
0xb3: {  	[sflag:s29] =	ssyncadd.s32 $0xFFFFFFFF  }
0xb4: {  	_ =	strace $0x90000048  }
0xb5: {  	_ =	sfence  }
0xb6: {  	s30 =	sld [smem:$0x0];
	_ =	sdelay $0x2  }
0xb7: {  	s31 =	sshll.u32 s1, $0xD;
	s1 =	sshrl.u32 s1, $0x2  }
0xb8: {  	s3 =	sand.u32 $0x4000, s31;
	s1 =	sadd.s32 s1, s30  }
0xb9: {  	s0 =	sor.u32 s3, s0;
	s1 =	sshll.u32 s1, $0x11  }
0xba: {  	s0 =	sor.u32 s1, s0  }
0xbb: {  	s0 =	sadd.s32 $0x8F2B, s0  }
0xbc: {  	[sflag:s0] =	ssyncadd.remote.s32 $0x1  }
0xbd: {  	_ =	sfence.sel $0xFFFF  }
0xbe: {  	[dreg:$0x0] =	wrdreg $0xFFFFFFFF;
	(pc) =	sbr.abs _section_cstart, $3  }
0xbf: {  	[dreg:$0x1] =	wrdreg $0xFFFFFFFF  }
0xc0: {  	_ =	task.clear_ibuf [dreg:s6], $0x2FFFF;
	_ =	strace $0x9FFFFFFF  }
0xc1: {  	(tm) =	ssettm $0x7FFFFFFF  }
tec
execute0_lowered:
.L_overlay_start_1:
0x0: {  	(tag) =	ssettag $0x1  }
0x1: {  	s0 =	srdreg.scid;
	s13 =	stileid.u32  }
0x2: {  	s5 =	rddreg [dreg:$0x0];
	s7 =	smul.u32 $0x2A00, s13  }
0x3: {  	s2 =	simm.s32 $0x0;
	s28 =	simm.s32 $0x8;
	s12 =	smul.u32 $0xA800, s13  }
0x4: {  	s29 =	simm.s32 $0x9;
	s30 =	simm.s32 $0xA;
	s19 =	smul.u32 $0x1500, s13  }
0x5: {  	s31 =	simm.s32 $0xB;
	s0 =	sand.u32 $0x1, s0;
	s23 =	smul.u32 $0x5400, s13  }
0x6: {  	s1 =	sshll.u32 s13, $0x1;
	[smem:$0x7FF] =	sst s2;
	s10 =	smul.u32 $0x1500, s0  }
0x7: {  	s3 =	sadd.s32 $0x2E00, s5;
	s4 =	sadd.s32 $0x3E2E00, s5;
	s26 =	smul.u32 $0x5400, s0  }
0x8: {  	s8 =	sadd.s32 $0x43FC00, s5;
	s13 =	simm.s32 $0x80;
	s21 =	smul.u32 $0xA80, s0  }
0x9: {  	s1 =	sor.u32 s0, s1;
	s9 =	ssub.s32 $0x2, s0;
	s0 =	smul.u32 $0x2A00, s0  }
0xa: {  	_ =	strace $0x80000047;
	s6 =	smul.u32 $0x1500, s1;
	s11 =	sshrl.u32 s9, $0x1  }
0xb: {  	s1 =	smul.u32 $0xA80, s1;
	s12 =	sadd.s32 s12, s8;
	s9 =	ssub.s32 s9, s11  }
0xc: {  	s7 =	sadd.s32 s10, s7;
	s14 =	sadd.s32 s26, s12;
	s24 =	sadd.s32 s21, s19  }
0xd: {  	s19 =	simm.s32 $0x6F80;
	s21 =	simm.s32 $0x2;
	s6 =	sshrl.u32 s6, $0x3  }
0xe: {  	s1 =	sshrl.u32 s1, $0x3;
	s7 =	sshll.u32 s7, $0x2;
	s16 =	smax.u32 s9, $0x1  }
0xf: {  	[dreg:$0x2] =	wrdreg s14;
	s14 =	simm.s32 $0x1F80;
	s6 =	sadd.s32 s6, s5  }
0x10: {  	s1 =	sadd.s32 s1, s5;
	[dreg:$0xa] =	wrdreg s16;
	s6 =	sadd.s32 $0x3E3E00, s6  }
0x11: {  	s15 =	sadd.s32 s7, s8;
	s1 =	sadd.s32 $0x3E9200, s1;
	[dreg:$0x8] =	wrdreg s6  }
0x12: {  	s5 =	sadd.s32 $0x3EBC00, s5;
	s17 =	sadd.s32 $0xA00, s15;
	[dreg:$0x9] =	wrdreg s1  }
0x13: {  	s16 =	simm.s32 $0x3F80;
	s18 =	sadd.s32 $0x800, s15;
	[dreg:$0x3] =	wrdreg s17  }
0x14: {  	s7 =	simm.s32 $0x0;
	s20 =	sadd.s32 $0x600, s15;
	[dreg:$0x4] =	wrdreg s18  }
0x15: {  	s22 =	sadd.s32 $0x400, s15;
	s25 =	sadd.s32 s23, s5;
	[dreg:$0x5] =	wrdreg s20  }
0x16: {  	s23 =	simm.s32 $0x4;
	[dreg:$0x6] =	wrdreg s22;
	s6 =	sadd.s32 $0x200, s15  }
0x17: {  	s1 =	sshll.u32 s24, $0x2;
	s8 =	sadd.s32 s0, s25;
	s15 =	simm.s32 $0x2F80  }
0x18: {  	s17 =	simm.s32 $0x4F80;
	s18 =	simm.s32 $0x5F80;
	s20 =	simm.s32 $0x1  }
0x19: {  	s22 =	simm.s32 $0x3;
	s24 =	simm.s32 $0x5;
	s25 =	simm.s32 $0x6  }
0x1a: {  	[dreg:$0x7] =	wrdreg s6;
	s26 =	sadd.s32 s5, s1;
	s1 =	simm.s32 $0xC  }
0x1b: {  	s9 =	sadd.s32 $0x400, s26;
	s10 =	sadd.s32 $0x200, s26;
	s26 =	simm.s32 $0x7  }
.LBB2_1:
0x1c: {  	[dreg:$0xb] =	wrdreg s7  }
0x1d: {  	s0 =	rddreg [dreg:$0x8];
	s5 =	simm.s32 $0xD  }
0x1e: {  	[tilespmem:s2], [sflag:$0xD] =	stream.linear.gather [hbm4b:s0+s2], $0x1500, $0x38;
	[tilespmem:$0x7F80] =	vst v63  }
0x1f: {  	_ =	swait.ge [sflag:s5], $0x1500  }
0x20: {  	[sflag:s5] =	ssyncset.done $0x0  }
0x21: {  	s6 =	simm.s32 $0x1500;
	s7 =	rddreg [dreg:$0x9];
	[sflag:s5] =	ssyncadd.s32 $0xFFFFEB00  }
0x22: {  	[tilespmem:s6], [sflag:$0xD] =	stream.linear.gather [hbm4b:s7+s2], $0xA80, $0x38;
	[tilespmem:$0x7F80] =	vst v63  }
0x23: {  	_ =	swait.ge [sflag:s5], $0xA80  }
0x24: {  	[sflag:s5] =	ssyncset.done $0x0  }
0x25: {  	s11 =	simm.s32 $0x0;
	[sflag:s5] =	ssyncadd.s32 $0xFFFFF580  }
0x26: {  	[tilespmem:s14], [sflag:$0x1] =	stream.indirect.gather [hbm4b:s3+s13], $0x20, s11, s13, $0xb8;
	[tilespmem:$0x7F80] =	vst v63  }
0x27: {  	s12 =	simm.s32 $0x80  }
0x28: {  	[tilespmem:s15], [sflag:$0x2] =	stream.indirect.gather [hbm4b:s3+s13], $0x20, s12, s13, $0xb8;
	[tilespmem:$0x7F80] =	vst v63  }
0x29: {  	s0 =	simm.s32 $0x100  }
0x2a: {  	[tilespmem:s16], [sflag:$0x3] =	stream.indirect.gather [hbm4b:s3+s13], $0x20, s0, s13, $0xb8;
	[tilespmem:$0x7F80] =	vst v63  }
0x2b: {  	s6 =	simm.s32 $0x180  }
0x2c: {  	[tilespmem:s17], [sflag:$0x4] =	stream.indirect.gather [hbm4b:s3+s13], $0x20, s6, s13, $0xb8;
	[tilespmem:$0x7F80] =	vst v63  }
0x2d: {  	s7 =	simm.s32 $0x200  }
0x2e: {  	[tilespmem:s18], [sflag:$0x5] =	stream.indirect.gather [hbm4b:s3+s13], $0x20, s7, s13, $0xb8;
	[tilespmem:$0x7F80] =	vst v63  }
0x2f: {  	s11 =	simm.s32 $0x280  }
0x30: {  	[tilespmem:s19], [sflag:$0x6] =	stream.indirect.gather [hbm4b:s3+s13], $0x20, s11, s13, $0xb8;
	[tilespmem:$0x7F80] =	vst v63  }
0x31: {  	_ =	swait.ge [sflag:s20], $0x1000  }
0x32: {  	s12 =	rddreg [dreg:$0x2];
	[sflag:s20] =	ssyncset.done $0x0  }
0x33: {  	[sflag:s20] =	ssyncadd.s32 $0xFFFFF000;
	s5 =	sadd.s32 $0x0, s12  }
0x34: {  	[hbm4b:s5+s2] =	stream.linear.scatter [tilespmem:s14], [sflag:$0x7], $0x1000, $0x38;
	[tilespmem:$0x7F80] =	vst v63  }
0x35: {  	_ =	swait.ge [sflag:s21], $0x1000  }
0x36: {  	s0 =	rddreg [dreg:$0x7];
	[sflag:s21] =	ssyncset.done $0x0  }
0x37: {  	[sflag:s21] =	ssyncadd.s32 $0xFFFFF000;
	s5 =	sadd.s32 $0x0, s0  }
0x38: {  	[hbm4b:s5+s2] =	stream.linear.scatter [tilespmem:s15], [sflag:$0x8], $0x1000, $0x38;
	[tilespmem:$0x7F80] =	vst v63  }
0x39: {  	_ =	swait.ge [sflag:s22], $0x1000  }
0x3a: {  	s6 =	rddreg [dreg:$0x6];
	[sflag:s22] =	ssyncset.done $0x0  }
0x3b: {  	[sflag:s22] =	ssyncadd.s32 $0xFFFFF000;
	s5 =	sadd.s32 $0x0, s6  }
0x3c: {  	[hbm4b:s5+s2] =	stream.linear.scatter [tilespmem:s16], [sflag:$0x9], $0x1000, $0x38;
	[tilespmem:$0x7F80] =	vst v63  }
0x3d: {  	_ =	swait.ge [sflag:s23], $0x1000  }
0x3e: {  	s7 =	rddreg [dreg:$0x5];
	[sflag:s23] =	ssyncset.done $0x0  }
0x3f: {  	[sflag:s23] =	ssyncadd.s32 $0xFFFFF000;
	s5 =	sadd.s32 $0x0, s7  }
0x40: {  	[hbm4b:s5+s2] =	stream.linear.scatter [tilespmem:s17], [sflag:$0xA], $0x1000, $0x38;
	[tilespmem:$0x7F80] =	vst v63  }
0x41: {  	_ =	swait.ge [sflag:s24], $0x1000  }
0x42: {  	s11 =	rddreg [dreg:$0x4];
	[sflag:s24] =	ssyncset.done $0x0  }
0x43: {  	[sflag:s24] =	ssyncadd.s32 $0xFFFFF000;
	s5 =	sadd.s32 $0x0, s11  }
0x44: {  	[hbm4b:s5+s2] =	stream.linear.scatter [tilespmem:s18], [sflag:$0xB], $0x1000, $0x38;
	[tilespmem:$0x7F80] =	vst v63  }
0x45: {  	_ =	swait.ge [sflag:s25], $0x1000  }
0x46: {  	s12 =	rddreg [dreg:$0x3];
	[sflag:s25] =	ssyncset.done $0x0  }
0x47: {  	[sflag:s25] =	ssyncadd.s32 $0xFFFFF000;
	s5 =	sadd.s32 $0x0, s12  }
0x48: {  	[hbm4b:s5+s2] =	stream.linear.scatter [tilespmem:s19], [sflag:$0xC], $0x1000, $0x38;
	[tilespmem:$0x7F80] =	vst v63  }
0x49: {  	_ =	swait.ge [sflag:s26], $0x1000  }
0x4a: {  	[sflag:s26] =	ssyncset.done $0x0  }
0x4b: {  	[sflag:s26] =	ssyncadd.s32 $0xFFFFF000  }
0x4c: {  	_ =	swait.ge [sflag:s28], $0x1000  }
0x4d: {  	[sflag:s28] =	ssyncset.done $0x0  }
0x4e: {  	[sflag:s28] =	ssyncadd.s32 $0xFFFFF000  }
0x4f: {  	_ =	swait.ge [sflag:s29], $0x1000  }
0x50: {  	[sflag:s29] =	ssyncset.done $0x0  }
0x51: {  	[sflag:s29] =	ssyncadd.s32 $0xFFFFF000  }
0x52: {  	_ =	swait.ge [sflag:s30], $0x1000  }
0x53: {  	[sflag:s30] =	ssyncset.done $0x0  }
0x54: {  	[sflag:s30] =	ssyncadd.s32 $0xFFFFF000  }
0x55: {  	_ =	swait.ge [sflag:s31], $0x1000  }
0x56: {  	[sflag:s31] =	ssyncset.done $0x0  }
0x57: {  	[sflag:s31] =	ssyncadd.s32 $0xFFFFF000  }
0x58: {  	_ =	swait.ge [sflag:s1], $0x1000  }
0x59: {  	s6 =	simm.s32 $0x1800;
	s5 =	simm.s32 $0xC00;
	[sflag:s1] =	ssyncset.done $0x0  }
.LBB2_2:
0x5a: {  	s12 =	sshra.s32 s5, $0x2;
	[sflag:s1] =	ssyncadd.s32 $0xFFFFF000  }
0x5b: {  	[tilespmem:s14], [sflag:$0x1] =	stream.indirect.gather [hbm4b:s3+s13], $0x20, s12, s13, $0xb8;
	[tilespmem:$0x7F80] =	vst v63  }
0x5c: {  	s0 =	sadd.s32 $0x80, s12  }
0x5d: {  	[tilespmem:s15], [sflag:$0x2] =	stream.indirect.gather [hbm4b:s3+s13], $0x20, s0, s13, $0xb8;
	[tilespmem:$0x7F80] =	vst v63  }
0x5e: {  	s0 =	sadd.s32 $0x100, s12  }
0x5f: {  	[tilespmem:s16], [sflag:$0x3] =	stream.indirect.gather [hbm4b:s3+s13], $0x20, s0, s13, $0xb8;
	[tilespmem:$0x7F80] =	vst v63  }
0x60: {  	s0 =	sadd.s32 $0x180, s12  }
0x61: {  	[tilespmem:s17], [sflag:$0x4] =	stream.indirect.gather [hbm4b:s3+s13], $0x20, s0, s13, $0xb8;
	[tilespmem:$0x7F80] =	vst v63  }
0x62: {  	s0 =	sadd.s32 $0x200, s12  }
0x63: {  	[tilespmem:s18], [sflag:$0x5] =	stream.indirect.gather [hbm4b:s3+s13], $0x20, s0, s13, $0xb8;
	[tilespmem:$0x7F80] =	vst v63  }
0x64: {  	s0 =	sadd.s32 $0x280, s12  }
0x65: {  	[tilespmem:s19], [sflag:$0x6] =	stream.indirect.gather [hbm4b:s3+s13], $0x20, s0, s13, $0xb8;
	[tilespmem:$0x7F80] =	vst v63  }
0x66: {  	s7 =	smov.u32 s6;
	s11 =	sadd.s32 $0xC00, s6;
	_ =	swait.ge [sflag:s20], $0x1000  }
0x67: {  	p0 =	sne.s32 s6, $0x4800;
	s12 =	rddreg [dreg:$0x2];
	[sflag:s20] =	ssyncset.done $0x0  }
0x68: {  	[sflag:s20] =	ssyncadd.s32 $0xFFFFF000;
	s6 =	sadd.s32 s5, s12;
	s12 =	simm.s32 $0x0  }
0x69: {  	[hbm4b:s6+s12] =	stream.linear.scatter [tilespmem:s14], [sflag:$0x7], $0x1000, $0x38;
	[tilespmem:$0x7F80] =	vst v63  }
0x6a: {  	_ =	swait.ge [sflag:s21], $0x1000  }
0x6b: {  	s0 =	rddreg [dreg:$0x7];
	[sflag:s21] =	ssyncset.done $0x0  }
0x6c: {  	[sflag:s21] =	ssyncadd.s32 $0xFFFFF000;
	s6 =	sadd.s32 s5, s0  }
0x6d: {  	[hbm4b:s6+s12] =	stream.linear.scatter [tilespmem:s15], [sflag:$0x8], $0x1000, $0x38;
	[tilespmem:$0x7F80] =	vst v63  }
0x6e: {  	_ =	swait.ge [sflag:s22], $0x1000  }
0x6f: {  	s0 =	rddreg [dreg:$0x6];
	[sflag:s22] =	ssyncset.done $0x0  }
0x70: {  	[sflag:s22] =	ssyncadd.s32 $0xFFFFF000;
	s6 =	sadd.s32 s5, s0  }
0x71: {  	[hbm4b:s6+s12] =	stream.linear.scatter [tilespmem:s16], [sflag:$0x9], $0x1000, $0x38;
	[tilespmem:$0x7F80] =	vst v63  }
0x72: {  	_ =	swait.ge [sflag:s23], $0x1000  }
0x73: {  	s0 =	rddreg [dreg:$0x5];
	[sflag:s23] =	ssyncset.done $0x0  }
0x74: {  	[sflag:s23] =	ssyncadd.s32 $0xFFFFF000;
	s6 =	sadd.s32 s5, s0  }
0x75: {  	[hbm4b:s6+s12] =	stream.linear.scatter [tilespmem:s17], [sflag:$0xA], $0x1000, $0x38;
	[tilespmem:$0x7F80] =	vst v63  }
0x76: {  	_ =	swait.ge [sflag:s24], $0x1000  }
0x77: {  	s0 =	rddreg [dreg:$0x4];
	[sflag:s24] =	ssyncset.done $0x0  }
0x78: {  	[sflag:s24] =	ssyncadd.s32 $0xFFFFF000;
	s6 =	sadd.s32 s5, s0  }
0x79: {  	[hbm4b:s6+s12] =	stream.linear.scatter [tilespmem:s18], [sflag:$0xB], $0x1000, $0x38;
	[tilespmem:$0x7F80] =	vst v63  }
0x7a: {  	_ =	swait.ge [sflag:s25], $0x1000  }
0x7b: {  	s0 =	rddreg [dreg:$0x3];
	[sflag:s25] =	ssyncset.done $0x0  }
0x7c: {  	[sflag:s25] =	ssyncadd.s32 $0xFFFFF000;
	s6 =	sadd.s32 s5, s0  }
0x7d: {  	[hbm4b:s6+s12] =	stream.linear.scatter [tilespmem:s19], [sflag:$0xC], $0x1000, $0x38;
	[tilespmem:$0x7F80] =	vst v63  }
0x7e: {  	_ =	swait.ge [sflag:s26], $0x1000  }
0x7f: {  	[sflag:s26] =	ssyncset.done $0x0  }
0x80: {  	[sflag:s26] =	ssyncadd.s32 $0xFFFFF000  }
0x81: {  	_ =	swait.ge [sflag:s28], $0x1000  }
0x82: {  	[sflag:s28] =	ssyncset.done $0x0  }
0x83: {  	[sflag:s28] =	ssyncadd.s32 $0xFFFFF000  }
0x84: {  	_ =	swait.ge [sflag:s29], $0x1000  }
0x85: {  	[sflag:s29] =	ssyncset.done $0x0  }
0x86: {  	[sflag:s29] =	ssyncadd.s32 $0xFFFFF000  }
0x87: {  	_ =	swait.ge [sflag:s30], $0x1000  }
0x88: {  	[sflag:s30] =	ssyncset.done $0x0  }
0x89: {  	[sflag:s30] =	ssyncadd.s32 $0xFFFFF000  }
.Ltmp0:
0x8a: {  	_ =	swait.ge [sflag:s31], $0x1000;
	(pc) =	sbr.rel @p0 .LBB2_2-.Ltmp0, $4  }
0x8b: {  	[sflag:s31] =	ssyncset.done $0x0  }
0x8c: {  	[sflag:s31] =	ssyncadd.s32 $0xFFFFF000  }
0x8d: {  	_ =	swait.ge [sflag:s1], $0x1000  }
0x8e: {  	s5 =	smov.u32 s7;
	s6 =	smov.u32 s11;
	[sflag:s1] =	ssyncset.done $0x0  }
0x8f: {  	s6 =	sshra.s32 s5, $0x2;
	[sflag:s1] =	ssyncadd.s32 $0xFFFFF000  }
0x90: {  	[tilespmem:s14], [sflag:$0x1] =	stream.indirect.gather [hbm4b:s3+s13], $0x20, s6, s13, $0xb8;
	[tilespmem:$0x7F80] =	vst v63  }
0x91: {  	s7 =	sadd.s32 $0x80, s6  }
0x92: {  	[tilespmem:s15], [sflag:$0x2] =	stream.indirect.gather [hbm4b:s3+s13], $0x20, s7, s13, $0xb8;
	[tilespmem:$0x7F80] =	vst v63  }
0x93: {  	s0 =	sadd.s32 $0x100, s6  }
0x94: {  	[tilespmem:s16], [sflag:$0x3] =	stream.indirect.gather [hbm4b:s3+s13], $0x20, s0, s13, $0xb8;
	[tilespmem:$0x7F80] =	vst v63  }
0x95: {  	s11 =	sadd.s32 $0x180, s6  }
0x96: {  	[tilespmem:s17], [sflag:$0x4] =	stream.indirect.gather [hbm4b:s3+s13], $0x20, s11, s13, $0xb8;
	[tilespmem:$0x7F80] =	vst v63  }
0x97: {  	s0 =	sadd.s32 $0x200, s6  }
0x98: {  	[tilespmem:s18], [sflag:$0x5] =	stream.indirect.gather [hbm4b:s3+s13], $0x20, s0, s13, $0xb8;
	[tilespmem:$0x7F80] =	vst v63  }
0x99: {  	s6 =	sadd.s32 $0x280, s6  }
0x9a: {  	[tilespmem:s19], [sflag:$0x6] =	stream.indirect.gather [hbm4b:s3+s13], $0x20, s6, s13, $0xb8;
	[tilespmem:$0x7F80] =	vst v63  }
0x9b: {  	_ =	swait.ge [sflag:s20], $0x1000  }
0x9c: {  	s11 =	rddreg [dreg:$0x2];
	[sflag:s20] =	ssyncset.done $0x0  }
0x9d: {  	[sflag:s20] =	ssyncadd.s32 $0xFFFFF000;
	s6 =	sadd.s32 s5, s11  }
0x9e: {  	[hbm4b:s6+s12] =	stream.linear.scatter [tilespmem:s14], [sflag:$0x7], $0x1000, $0x38;
	[tilespmem:$0x7F80] =	vst v63  }
0x9f: {  	_ =	swait.ge [sflag:s21], $0x1000  }
0xa0: {  	s0 =	rddreg [dreg:$0x7];
	[sflag:s21] =	ssyncset.done $0x0  }
0xa1: {  	[sflag:s21] =	ssyncadd.s32 $0xFFFFF000;
	s6 =	sadd.s32 s5, s0  }
0xa2: {  	[hbm4b:s6+s12] =	stream.linear.scatter [tilespmem:s15], [sflag:$0x8], $0x1000, $0x38;
	[tilespmem:$0x7F80] =	vst v63  }
0xa3: {  	_ =	swait.ge [sflag:s22], $0x1000  }
0xa4: {  	s7 =	rddreg [dreg:$0x6];
	[sflag:s22] =	ssyncset.done $0x0  }
0xa5: {  	[sflag:s22] =	ssyncadd.s32 $0xFFFFF000;
	s6 =	sadd.s32 s5, s7  }
0xa6: {  	[hbm4b:s6+s12] =	stream.linear.scatter [tilespmem:s16], [sflag:$0x9], $0x1000, $0x38;
	[tilespmem:$0x7F80] =	vst v63  }
0xa7: {  	_ =	swait.ge [sflag:s23], $0x1000  }
0xa8: {  	s11 =	rddreg [dreg:$0x5];
	[sflag:s23] =	ssyncset.done $0x0  }
0xa9: {  	[sflag:s23] =	ssyncadd.s32 $0xFFFFF000;
	s6 =	sadd.s32 s5, s11  }
0xaa: {  	[hbm4b:s6+s12] =	stream.linear.scatter [tilespmem:s17], [sflag:$0xA], $0x1000, $0x38;
	[tilespmem:$0x7F80] =	vst v63  }
0xab: {  	_ =	swait.ge [sflag:s24], $0x1000  }
0xac: {  	s0 =	rddreg [dreg:$0x4];
	[sflag:s24] =	ssyncset.done $0x0  }
0xad: {  	[sflag:s24] =	ssyncadd.s32 $0xFFFFF000;
	s6 =	sadd.s32 s5, s0  }
0xae: {  	[hbm4b:s6+s12] =	stream.linear.scatter [tilespmem:s18], [sflag:$0xB], $0x1000, $0x38;
	[tilespmem:$0x7F80] =	vst v63  }
0xaf: {  	_ =	swait.ge [sflag:s25], $0x1000  }
0xb0: {  	s7 =	rddreg [dreg:$0x3];
	[sflag:s25] =	ssyncset.done $0x0  }
0xb1: {  	[sflag:s25] =	ssyncadd.s32 $0xFFFFF000;
	s11 =	sadd.s32 s5, s7  }
0xb2: {  	[hbm4b:s11+s12] =	stream.linear.scatter [tilespmem:s19], [sflag:$0xC], $0x1000, $0x38;
	[tilespmem:$0x7F80] =	vst v63  }
0xb3: {  	_ =	swait.ge [sflag:s26], $0x1000  }
0xb4: {  	[sflag:s26] =	ssyncset.done $0x0  }
0xb5: {  	[sflag:s26] =	ssyncadd.s32 $0xFFFFF000  }
0xb6: {  	_ =	swait.ge [sflag:s28], $0x1000  }
0xb7: {  	[sflag:s28] =	ssyncset.done $0x0  }
0xb8: {  	[sflag:s28] =	ssyncadd.s32 $0xFFFFF000  }
0xb9: {  	_ =	swait.ge [sflag:s29], $0x1000  }
0xba: {  	[sflag:s29] =	ssyncset.done $0x0  }
0xbb: {  	[sflag:s29] =	ssyncadd.s32 $0xFFFFF000  }
0xbc: {  	_ =	swait.ge [sflag:s30], $0x1000  }
0xbd: {  	[sflag:s30] =	ssyncset.done $0x0  }
0xbe: {  	[sflag:s30] =	ssyncadd.s32 $0xFFFFF000  }
0xbf: {  	p1 =	por $0x1, $0x1;
	_ =	swait.ge [sflag:s31], $0x1000  }
.Ltmp1:
0xc0: {  	[sflag:s31] =	ssyncset.done $0x0;
	(pc) =	sbr.rel @!p1 .LBB2_8-.Ltmp1, $4  }
0xc1: {  	[sflag:s31] =	ssyncadd.s32 $0xFFFFF000  }
0xc2: {  	_ =	swait.ge [sflag:s1], $0x1000  }
0xc3: {  	p0 =	por $0x0, $0x0;
	s6 =	simm.s32 $0x0;
	[sflag:s1] =	ssyncset.done $0x0  }
0xc4: {  	s5 =	simm.s32 $0x600;
	s7 =	rddreg [dreg:$0xb];
	[sflag:s1] =	ssyncadd.s32 $0xFFFFF000  }
0xc5: {  	s6 =	simm.s32 $0x1500  }
0xc6: {  	[tilespmem:s14], [sflag:$0x1] =	stream.indirect.gather [hbm4b:s4+s13], $0x20, s6, s13, $0xb8;
	[tilespmem:$0x7F80] =	vst v63  }
0xc7: {  	s12 =	simm.s32 $0x1580  }
0xc8: {  	[tilespmem:s15], [sflag:$0x2] =	stream.indirect.gather [hbm4b:s4+s13], $0x20, s12, s13, $0xb8;
	[tilespmem:$0x7F80] =	vst v63  }
0xc9: {  	s0 =	simm.s32 $0x1600  }
0xca: {  	[tilespmem:s16], [sflag:$0x3] =	stream.indirect.gather [hbm4b:s4+s13], $0x20, s0, s13, $0xb8;
	[tilespmem:$0x7F80] =	vst v63  }
0xcb: {  	_ =	swait.ge [sflag:s20], $0x1000  }
0xcc: {  	[sflag:s20] =	ssyncset.done $0x0  }
0xcd: {  	s7 =	sadd.s32 $0x0, s8;
	[sflag:s20] =	ssyncadd.s32 $0xFFFFF000  }
0xce: {  	[hbm4b:s7+s2] =	stream.linear.scatter [tilespmem:s14], [sflag:$0x7], $0x1000, $0x38;
	[tilespmem:$0x7F80] =	vst v63  }
0xcf: {  	_ =	swait.ge [sflag:s21], $0x1000  }
0xd0: {  	[sflag:s21] =	ssyncset.done $0x0  }
0xd1: {  	s11 =	sadd.s32 $0x0, s10;
	[sflag:s21] =	ssyncadd.s32 $0xFFFFF000  }
0xd2: {  	[hbm4b:s11+s2] =	stream.linear.scatter [tilespmem:s15], [sflag:$0x8], $0x1000, $0x38;
	[tilespmem:$0x7F80] =	vst v63  }
0xd3: {  	_ =	swait.ge [sflag:s22], $0x1000  }
0xd4: {  	[sflag:s22] =	ssyncset.done $0x0  }
0xd5: {  	s12 =	sadd.s32 $0x0, s9;
	[sflag:s22] =	ssyncadd.s32 $0xFFFFF000  }
0xd6: {  	[hbm4b:s12+s2] =	stream.linear.scatter [tilespmem:s16], [sflag:$0x9], $0x1000, $0x38;
	[tilespmem:$0x7F80] =	vst v63  }
0xd7: {  	_ =	swait.ge [sflag:s26], $0x1000  }
0xd8: {  	[sflag:s26] =	ssyncset.done $0x0  }
0xd9: {  	p1 =	por $0x1, $0x1;
	[sflag:s26] =	ssyncadd.s32 $0xFFFFF000  }
.Ltmp2:
0xda: {  	_ =	swait.ge [sflag:s28], $0x1000;
	(pc) =	sbr.rel @!p1 .LBB2_5-.Ltmp2, $4  }
0xdb: {  	[sflag:s28] =	ssyncset.done $0x0  }
0xdc: {  	[sflag:s28] =	ssyncadd.s32 $0xFFFFF000  }
0xdd: {  	p0 =	por $0x1, $0x1;
	_ =	swait.ge [sflag:s29], $0x1000  }
0xde: {  	s6 =	simm.s32 $0x180;
	s7 =	simm.s32 $0xC00;
	[sflag:s29] =	ssyncset.done $0x0  }
.LBB2_6:
0xdf: {  	s11 =	sadd.s32 $0x1500, s6  }
0xe0: {  	[sflag:s29] =	ssyncadd.s32 $0xFFFFF000;
	s12 =	smov.u32 s7;
	s0 =	sadd.s32 $0x600, s7  }
0xe1: {  	[tilespmem:s14], [sflag:$0x1] =	stream.indirect.gather [hbm4b:s4+s13], $0x20, s11, s13, $0xb8;
	[tilespmem:$0x7F80] =	vst v63  }
0xe2: {  	p1 =	sne.s32 s7, $0x2400;
	s7 =	sadd.s32 $0x1580, s6  }
0xe3: {  	[tilespmem:s15], [sflag:$0x2] =	stream.indirect.gather [hbm4b:s4+s13], $0x20, s7, s13, $0xb8;
	[tilespmem:$0x7F80] =	vst v63  }
0xe4: {  	s6 =	sadd.s32 $0x1600, s6  }
0xe5: {  	[tilespmem:s16], [sflag:$0x3] =	stream.indirect.gather [hbm4b:s4+s13], $0x20, s6, s13, $0xb8;
	[tilespmem:$0x7F80] =	vst v63  }
0xe6: {  	_ =	swait.ge [sflag:s20], $0x1000  }
0xe7: {  	[sflag:s20] =	ssyncset.done $0x0  }
0xe8: {  	s6 =	sadd.s32 s5, s8;
	[sflag:s20] =	ssyncadd.s32 $0xFFFFF000  }
0xe9: {  	[hbm4b:s6+s2] =	stream.linear.scatter [tilespmem:s14], [sflag:$0x7], $0x1000, $0x38;
	[tilespmem:$0x7F80] =	vst v63  }
0xea: {  	_ =	swait.ge [sflag:s21], $0x1000  }
0xeb: {  	[sflag:s21] =	ssyncset.done $0x0  }
0xec: {  	s6 =	sadd.s32 s5, s10;
	[sflag:s21] =	ssyncadd.s32 $0xFFFFF000  }
0xed: {  	[hbm4b:s6+s2] =	stream.linear.scatter [tilespmem:s15], [sflag:$0x8], $0x1000, $0x38;
	[tilespmem:$0x7F80] =	vst v63  }
0xee: {  	_ =	swait.ge [sflag:s22], $0x1000  }
0xef: {  	[sflag:s22] =	ssyncset.done $0x0  }
0xf0: {  	s6 =	sadd.s32 s5, s9;
	s5 =	smov.u32 s12;
	[sflag:s22] =	ssyncadd.s32 $0xFFFFF000  }
0xf1: {  	[hbm4b:s6+s2] =	stream.linear.scatter [tilespmem:s16], [sflag:$0x9], $0x1000, $0x38;
	[tilespmem:$0x7F80] =	vst v63  }
0xf2: {  	_ =	swait.ge [sflag:s26], $0x1000  }
0xf3: {  	[sflag:s26] =	ssyncset.done $0x0  }
0xf4: {  	[sflag:s26] =	ssyncadd.s32 $0xFFFFF000  }
.Ltmp3:
0xf5: {  	_ =	swait.ge [sflag:s28], $0x1000;
	(pc) =	sbr.rel @p1 .LBB2_6-.Ltmp3, $4  }
0xf6: {  	[sflag:s28] =	ssyncset.done $0x0  }
0xf7: {  	[sflag:s28] =	ssyncadd.s32 $0xFFFFF000  }
0xf8: {  	_ =	swait.ge [sflag:s29], $0x1000  }
0xf9: {  	s7 =	smov.u32 s0;
	s6 =	sshra.s32 s5, $0x2;
	[sflag:s29] =	ssyncset.done $0x0  }
0xfa: {  	s12 =	smov.u32 s5;
	s7 =	rddreg [dreg:$0xb]  }
.LBB2_8:
0xfb: {  	s0 =	sadd.s32 $0x1500, s6;
	[sflag:s29] =	ssyncadd.s32 @p0 $0xFFFFF000  }
0xfc: {  	[tilespmem:s14], [sflag:$0x1] =	stream.indirect.gather [hbm4b:s4+s13], $0x20, s0, s13, $0xb8;
	[tilespmem:$0x7F80] =	vst v63  }
0xfd: {  	s5 =	sadd.s32 $0x1580, s6  }
0xfe: {  	[tilespmem:s15], [sflag:$0x2] =	stream.indirect.gather [hbm4b:s4+s13], $0x20, s5, s13, $0xb8;
	[tilespmem:$0x7F80] =	vst v63  }
0xff: {  	s11 =	sadd.s32 $0x1600, s6  }
0x100: {  	[tilespmem:s16], [sflag:$0x3] =	stream.indirect.gather [hbm4b:s4+s13], $0x20, s11, s13, $0xb8;
	[tilespmem:$0x7F80] =	vst v63  }
0x101: {  	_ =	swait.ge [sflag:s20], $0x1000  }
0x102: {  	[sflag:s20] =	ssyncset.done $0x0  }
0x103: {  	s5 =	sadd.s32 s12, s8;
	[sflag:s20] =	ssyncadd.s32 $0xFFFFF000  }
0x104: {  	[hbm4b:s5+s2] =	stream.linear.scatter [tilespmem:s14], [sflag:$0x7], $0x1000, $0x38;
	[tilespmem:$0x7F80] =	vst v63  }
0x105: {  	_ =	swait.ge [sflag:s21], $0x1000  }
0x106: {  	[sflag:s21] =	ssyncset.done $0x0  }
0x107: {  	s6 =	sadd.s32 s12, s10;
	[sflag:s21] =	ssyncadd.s32 $0xFFFFF000  }
0x108: {  	[hbm4b:s6+s2] =	stream.linear.scatter [tilespmem:s15], [sflag:$0x8], $0x1000, $0x38;
	[tilespmem:$0x7F80] =	vst v63  }
0x109: {  	_ =	swait.ge [sflag:s22], $0x1000  }
0x10a: {  	[sflag:s22] =	ssyncset.done $0x0  }
0x10b: {  	s11 =	sadd.s32 s12, s9;
	[sflag:s22] =	ssyncadd.s32 $0xFFFFF000  }
0x10c: {  	[hbm4b:s11+s2] =	stream.linear.scatter [tilespmem:s16], [sflag:$0x9], $0x1000, $0x38;
	[tilespmem:$0x7F80] =	vst v63  }
0x10d: {  	_ =	swait.ge [sflag:s26], $0x1000  }
0x10e: {  	[sflag:s26] =	ssyncset.done $0x0  }
0x10f: {  	[sflag:s26] =	ssyncadd.s32 $0xFFFFF000  }
0x110: {  	_ =	swait.ge [sflag:s28], $0x1000  }
0x111: {  	[sflag:s28] =	ssyncset.done $0x0  }
0x112: {  	[sflag:s28] =	ssyncadd.s32 $0xFFFFF000  }
0x113: {  	_ =	swait.ge [sflag:s29], $0x1000  }
0x114: {  	s7 =	sadd.s32 $0x1, s7;
	s12 =	rddreg [dreg:$0xa]  }
0x115: {  	p0 =	sne.s32 s7, s12  }
.Ltmp4:
0x116: {  	_ = 	snop;
	(pc) =	sbr.rel @p0 .LBB2_1-.Ltmp4, $4  }
.Ltmp5:
0x117: {  	_ = 	snop;
	(pc) =	sbr.rel @!p0 .LBB2_9-.Ltmp5, $4  }
0x118: {  	_ = 	snop  }
0x119: {  	[sflag:s29] =	ssyncset.done $0x0  }
0x11a: {  	[sflag:s29] =	ssyncadd.s32 $0xFFFFF000  }
0x11b: {  	_ = 	snop  }
.LBB2_5:
.Ltmp6:
0x11c: {  	(pc) =	sbr.rel .LBB2_8-.Ltmp6, $2  }
0x11d: {  	_ =	sdelay $0x2  }
0x11e: {  	s12 =	simm.s32 $0x600;
	s7 =	rddreg [dreg:$0xb]  }
.LBB2_9:
0x11f: {  	_ =	sfence.sel $0x180000  }
0x120: {  	[bflag:$0x0] =	sbarrier.arrive $0xFFFF  }
0x121: {  	_ =	strace $0x90000047  }
0x122: {  	s0 =	stileid.u32;
	[bflag:$0x2] =	sbarrier.arrive $0xFFFF  }
0x123: {  	p0 =	sne.s32 s0, $0x0;
	s0 =	rddreg [dreg:$0x1]  }
0x124: {  	s0 =	sadd.s32 @!p0 $0x100000, s0  }
0x125: {  	[sflag:s0] =	ssyncadd.tile.s32 @!p0 $0x1;
	_ =	shalt  }
.Lfunc_end2:
_tile_overlayer_lowered:
.L_overlay_start_2:
0x126: {  	(tag) =	ssettag $0x2  }
0x127: {  	s0 =	rddreg [dreg:$0x0];
	s2 =	stileid.u32  }
0x128: {  	s1 =	rddreg [dreg:$0x1];
	p0 =	sne.s32 s2, $0x0  }
0x129: {  	s3 =	rddreg [dreg:$0x2];
	[bflag:$0x3] =	sbarrier.arrive $0xFFFF;
	s2 =	simm.s32 @!p0 $0x1C0D  }
0x12a: {  	[timem:s3], [sflag:s2] =	dma.local @!p0 [hbm:s0], s1  }
0x12b: {  	s0 =	simm.s32 @!p0 $0xD  }
0x12c: {  	_ =	swait.ge @!p0 [sflag:s0], s1  }
0x12d: {  	s1 =	ssub.s32 @!p0 $0x0, s1;
	[sflag:s0] =	ssyncset.done @!p0 $0x0  }
0x12e: {  	[sflag:s0] =	ssyncadd.s32 @!p0 s1  }
0x12f: {  	[bflag:$0x3] =	sbarrier.arrive $0xFFFF  }
0x130: {  	_ =	shalt  }

</sc_bundles>
